<compile_context>
chip_gen: v7x
topology: tpu7x:2x2x1
jax: 0.10.2.dev20260603
libtpu: 0.0.44.dev20260713+nightly
codegen_flags: <defaults>
</compile_context>

<pallas_src>
import functools

import jax
import jax.numpy as jnp
from jax import lax
from jax.experimental import pallas as pl
from jax.experimental.pallas import tpu as pltpu
from jax.experimental.pallas import tpu_sc as plsc

N, C, P, M = 32, 128, 16384, 4096
L = 16
NC, NS = 2, 16
R = 1
NBLK = C // R


def _gather_body(points_hbm, idx_hbm, out_hbm, idx_v, row_v0, row_v1,
                 row_v2, row_v3, out_v0, out_v1, out_v2, out_v3,
                 in_sem0, in_sem1, in_sem2, in_sem3,
                 out_sem0, out_sem1, out_sem2, out_sem3):
    n = lax.axis_index("s") * NC + lax.axis_index("c")
    rows = (row_v0, row_v1, row_v2, row_v3)
    outs = (out_v0, out_v1, out_v2, out_v3)
    in_sems = (in_sem0, in_sem1, in_sem2, in_sem3)
    out_sems = (out_sem0, out_sem1, out_sem2, out_sem3)

    pltpu.sync_copy(idx_hbm.at[n], idx_v)

    for b in range(4):
        for r in range(R):
            pltpu.async_copy(
                points_hbm.at[n, b * R + r], rows[b].at[pl.ds(r * P, P)],
                in_sems[b])

    def outer(j0, carry):
        for b in range(4):
            j = j0 * 4 + b
            for r in range(R):
                pltpu.make_async_copy(
                    points_hbm.at[n, j * R + r],
                    rows[b].at[pl.ds(r * P, P)], in_sems[b]).wait()

            @pl.when(j0 > 0)
            def _wait_out():
                for r in range(R):
                    pltpu.make_async_copy(
                        outs[b].at[pl.ds(r * M, M)],
                        out_hbm.at[n, (j - 4) * R + r], out_sems[b]).wait()

            @plsc.parallel_loop(0, M, L, unroll=8)
            def g_loop(i):
                base = pl.multiple_of(i, L)
                idx = idx_v[pl.ds(base, L)]
                for r in range(R):
                    ridx = idx + (r * P) if r else idx
                    outs[b][pl.ds(r * M + base, L)] = plsc.load_gather(
                        rows[b], [ridx])

            for r in range(R):
                pltpu.async_copy(
                    outs[b].at[pl.ds(r * M, M)], out_hbm.at[n, j * R + r],
                    out_sems[b])

            @pl.when(j + 4 < NBLK)
            def _next_in():
                for r in range(R):
                    pltpu.async_copy(
                        points_hbm.at[n, (j + 4) * R + r],
                        rows[b].at[pl.ds(r * P, P)], in_sems[b])
        return carry

    lax.fori_loop(0, NBLK // 4, outer, 0)

    for b in range(4):
        for r in range(R):
            pltpu.make_async_copy(
                outs[b].at[pl.ds(r * M, M)],
                out_hbm.at[n, (NBLK - 4 + b) * R + r], out_sems[b]).wait()


@jax.jit
def kernel(points, indices):
    idx32 = indices.astype(jnp.int32)
    mesh = plsc.VectorSubcoreMesh(core_axis_name="c", subcore_axis_name="s")
    run = functools.partial(
        pl.kernel,
        mesh=mesh,
        out_type=jax.ShapeDtypeStruct((N, C, M), jnp.float32),
        scratch_types=[
            pltpu.VMEM((M,), jnp.int32),
            pltpu.VMEM((R * P,), jnp.float32),
            pltpu.VMEM((R * P,), jnp.float32),
            pltpu.VMEM((R * P,), jnp.float32),
            pltpu.VMEM((R * P,), jnp.float32),
            pltpu.VMEM((R * M,), jnp.float32),
            pltpu.VMEM((R * M,), jnp.float32),
            pltpu.VMEM((R * M,), jnp.float32),
            pltpu.VMEM((R * M,), jnp.float32),
            pltpu.SemaphoreType.DMA,
            pltpu.SemaphoreType.DMA,
            pltpu.SemaphoreType.DMA,
            pltpu.SemaphoreType.DMA,
            pltpu.SemaphoreType.DMA,
            pltpu.SemaphoreType.DMA,
            pltpu.SemaphoreType.DMA,
            pltpu.SemaphoreType.DMA,
        ],
        compiler_params=pltpu.CompilerParams(needs_layout_passes=False),
    )(_gather_body)
    return run(points, idx32)

# --- scband reference (transcript-rebuilt; emitter-appended) ---
"""Pipeline reference for scband-point-gatherer-38001870635076 (READ-ONLY COPY).

The authoritative reference and input builder live on the scoring server;
editing this copy changes nothing except your own understanding.
"""

import jax, jax.numpy as jnp
import numpy as np


def setup_inputs(seed: int = 0) -> dict:
    key = jax.random.key(seed)
    k1, k2 = jax.random.split(key)
    points = jax.random.normal(k1, (32, 128, 16384), dtype=jnp.float32)
    indices = jax.random.randint(k2, (32, 4096), 0, 16384, dtype=jnp.int64)
    return {"points": points, "indices": indices}


def reference(points, indices):
    # points: (N, C, P), indices: (N, M) -> out: (N, C, M)
    # out[n, c, m] = points[n, c, indices[n, m]]
    N, C, P = points.shape
    M = indices.shape[1]
    idx = jnp.broadcast_to(indices[:, None, :], (N, C, M))
    return jnp.take_along_axis(points, idx, axis=2)

if __name__ == "__main__":
    import jax
    _d = setup_inputs()
    print(jax.jit(kernel)(*tuple(_d.values())))

</pallas_src>

<mosaic_0001>
#map = affine_map<(d0, d1) -> (0, 0, 0)>
#map1 = affine_map<(d0, d1) -> (0, 0)>
module attributes {stable_mosaic.version = 14 : i64} {
  func.func @_gather_body(%arg0: i32, %arg1: i32, %arg2: memref<32x128x16384xf32, #tpu.memory_space<hbm>>, %arg3: memref<32x4096xi32, #tpu.memory_space<hbm>>, %arg4: memref<32x128x4096xf32, #tpu.memory_space<hbm>>, %arg5: memref<4096xi32, #tpu.memory_space<vmem>>, %arg6: memref<16384xf32, #tpu.memory_space<vmem>>, %arg7: memref<16384xf32, #tpu.memory_space<vmem>>, %arg8: memref<16384xf32, #tpu.memory_space<vmem>>, %arg9: memref<16384xf32, #tpu.memory_space<vmem>>, %arg10: memref<4096xf32, #tpu.memory_space<vmem>>, %arg11: memref<4096xf32, #tpu.memory_space<vmem>>, %arg12: memref<4096xf32, #tpu.memory_space<vmem>>, %arg13: memref<4096xf32, #tpu.memory_space<vmem>>, %arg14: memref<!tpu.dma_semaphore, #tpu.memory_space<semaphore_mem>>, %arg15: memref<!tpu.dma_semaphore, #tpu.memory_space<semaphore_mem>>, %arg16: memref<!tpu.dma_semaphore, #tpu.memory_space<semaphore_mem>>, %arg17: memref<!tpu.dma_semaphore, #tpu.memory_space<semaphore_mem>>, %arg18: memref<!tpu.dma_semaphore, #tpu.memory_space<semaphore_mem>>, %arg19: memref<!tpu.dma_semaphore, #tpu.memory_space<semaphore_mem>>, %arg20: memref<!tpu.dma_semaphore, #tpu.memory_space<semaphore_mem>>, %arg21: memref<!tpu.dma_semaphore, #tpu.memory_space<semaphore_mem>>) attributes {dimension_semantics = [#tpu.dimension_semantics<core_parallel>, #tpu.dimension_semantics<subcore_parallel>], iteration_bounds = array<i64: 2, 16>, scalar_prefetch = 0 : i64, scratch_operands = 17 : i64, tpu.core_type = #tpu.core_type<sc_vector_subcore>, window_params = [{transform_indices = #map}, {transform_indices = #map1}, {transform_indices = #map}]} {
    %mul3A = arith.constant 2 : i32
    %mul3A_0 = arith.muli %arg1, %mul3A : i32
    %add3A = arith.addi %mul3A_0, %arg0 : i32
    "tpu.region"() ({
      %run_scoped3A = tpu.sem_alloc : memref<!tpu.dma_semaphore, #tpu.memory_space<semaphore_mem>>
      %dma_start3A_92 = arith.constant 0 : i32
      %dma_start3A_93 = tpu.memref_slice %arg3[%add3A, %dma_start3A_92] : memref<32x4096xi32, #tpu.memory_space<hbm>> -> memref<1x4096xi32, #tpu.memory_space<hbm>>
      %dma_start3A_94 = tpu.memref_squeeze %dma_start3A_93 : memref<1x4096xi32, #tpu.memory_space<hbm>> -> memref<4096xi32, #tpu.memory_space<hbm>>
      %dma_start3A_95 = arith.constant 0 : i32
      %dma_start3A_96 = tpu.memref_slice %arg3[%add3A, %dma_start3A_95] : memref<32x4096xi32, #tpu.memory_space<hbm>> -> memref<1x4096xi32, #tpu.memory_space<hbm>>
      %dma_start3A_97 = tpu.memref_squeeze %dma_start3A_96 : memref<1x4096xi32, #tpu.memory_space<hbm>> -> memref<4096xi32, #tpu.memory_space<hbm>>
      tpu.enqueue_dma source(%dma_start3A_97 : memref<4096xi32, #tpu.memory_space<hbm>>) target(%arg5 : memref<4096xi32, #tpu.memory_space<vmem>>) target_semaphore(%run_scoped3A : memref<!tpu.dma_semaphore, #tpu.memory_space<semaphore_mem>>)
      %dma_wait3A_98 = arith.constant 0 : i32
      %dma_wait3A_99 = tpu.memref_slice %arg3[%add3A, %dma_wait3A_98] : memref<32x4096xi32, #tpu.memory_space<hbm>> -> memref<1x4096xi32, #tpu.memory_space<hbm>>
      %dma_wait3A_100 = tpu.memref_squeeze %dma_wait3A_99 : memref<1x4096xi32, #tpu.memory_space<hbm>> -> memref<4096xi32, #tpu.memory_space<hbm>>
      %dma_wait3A_101 = arith.constant 0 : i32
      %dma_wait3A_102 = tpu.memref_slice %arg3[%add3A, %dma_wait3A_101] : memref<32x4096xi32, #tpu.memory_space<hbm>> -> memref<1x4096xi32, #tpu.memory_space<hbm>>
      %dma_wait3A_103 = tpu.memref_squeeze %dma_wait3A_102 : memref<1x4096xi32, #tpu.memory_space<hbm>> -> memref<4096xi32, #tpu.memory_space<hbm>>
      tpu.wait_dma2 semaphore(%run_scoped3A : memref<!tpu.dma_semaphore, #tpu.memory_space<semaphore_mem>>) src(%dma_wait3A_103 : memref<4096xi32, #tpu.memory_space<hbm>>) dst(%arg5 : memref<4096xi32, #tpu.memory_space<vmem>>)
      tpu.yield
    }) : () -> ()
    %dma_start3A = arith.constant 0 : i32
    %dma_start3A_1 = arith.constant 0 : i32
    %dma_start3A_2 = tpu.memref_slice %arg6[%dma_start3A_1] : memref<16384xf32, #tpu.memory_space<vmem>> -> memref<16384xf32, #tpu.memory_space<vmem>>
    %dma_start3A_3 = arith.constant 0 : i32
    %dma_start3A_4 = tpu.memref_slice %arg2[%add3A, %dma_start3A, %dma_start3A_3] : memref<32x128x16384xf32, #tpu.memory_space<hbm>> -> memref<1x1x16384xf32, #tpu.memory_space<hbm>>
    %dma_start3A_5 = tpu.memref_squeeze %dma_start3A_4 : memref<1x1x16384xf32, #tpu.memory_space<hbm>> -> memref<16384xf32, #tpu.memory_space<hbm>>
    %dma_start3A_6 = arith.constant 0 : i32
    %dma_start3A_7 = tpu.memref_slice %arg6[%dma_start3A_6] : memref<16384xf32, #tpu.memory_space<vmem>> -> memref<16384xf32, #tpu.memory_space<vmem>>
    %dma_start3A_8 = arith.constant 0 : i32
    %dma_start3A_9 = tpu.memref_slice %arg2[%add3A, %dma_start3A, %dma_start3A_8] : memref<32x128x16384xf32, #tpu.memory_space<hbm>> -> memref<1x1x16384xf32, #tpu.memory_space<hbm>>
    %dma_start3A_10 = tpu.memref_squeeze %dma_start3A_9 : memref<1x1x16384xf32, #tpu.memory_space<hbm>> -> memref<16384xf32, #tpu.memory_space<hbm>>
    tpu.enqueue_dma source(%dma_start3A_10 : memref<16384xf32, #tpu.memory_space<hbm>>) target(%dma_start3A_7 : memref<16384xf32, #tpu.memory_space<vmem>>) target_semaphore(%arg14 : memref<!tpu.dma_semaphore, #tpu.memory_space<semaphore_mem>>)
    %dma_start3A_11 = arith.constant 1 : i32
    %dma_start3A_12 = arith.constant 0 : i32
    %dma_start3A_13 = tpu.memref_slice %arg7[%dma_start3A_12] : memref<16384xf32, #tpu.memory_space<vmem>> -> memref<16384xf32, #tpu.memory_space<vmem>>
    %dma_start3A_14 = arith.constant 0 : i32
    %dma_start3A_15 = tpu.memref_slice %arg2[%add3A, %dma_start3A_11, %dma_start3A_14] : memref<32x128x16384xf32, #tpu.memory_space<hbm>> -> memref<1x1x16384xf32, #tpu.memory_space<hbm>>
    %dma_start3A_16 = tpu.memref_squeeze %dma_start3A_15 : memref<1x1x16384xf32, #tpu.memory_space<hbm>> -> memref<16384xf32, #tpu.memory_space<hbm>>
    %dma_start3A_17 = arith.constant 0 : i32
    %dma_start3A_18 = tpu.memref_slice %arg7[%dma_start3A_17] : memref<16384xf32, #tpu.memory_space<vmem>> -> memref<16384xf32, #tpu.memory_space<vmem>>
    %dma_start3A_19 = arith.constant 0 : i32
    %dma_start3A_20 = tpu.memref_slice %arg2[%add3A, %dma_start3A_11, %dma_start3A_19] : memref<32x128x16384xf32, #tpu.memory_space<hbm>> -> memref<1x1x16384xf32, #tpu.memory_space<hbm>>
    %dma_start3A_21 = tpu.memref_squeeze %dma_start3A_20 : memref<1x1x16384xf32, #tpu.memory_space<hbm>> -> memref<16384xf32, #tpu.memory_space<hbm>>
    tpu.enqueue_dma source(%dma_start3A_21 : memref<16384xf32, #tpu.memory_space<hbm>>) target(%dma_start3A_18 : memref<16384xf32, #tpu.memory_space<vmem>>) target_semaphore(%arg15 : memref<!tpu.dma_semaphore, #tpu.memory_space<semaphore_mem>>)
    %dma_start3A_22 = arith.constant 2 : i32
    %dma_start3A_23 = arith.constant 0 : i32
    %dma_start3A_24 = tpu.memref_slice %arg8[%dma_start3A_23] : memref<16384xf32, #tpu.memory_space<vmem>> -> memref<16384xf32, #tpu.memory_space<vmem>>
    %dma_start3A_25 = arith.constant 0 : i32
    %dma_start3A_26 = tpu.memref_slice %arg2[%add3A, %dma_start3A_22, %dma_start3A_25] : memref<32x128x16384xf32, #tpu.memory_space<hbm>> -> memref<1x1x16384xf32, #tpu.memory_space<hbm>>
    %dma_start3A_27 = tpu.memref_squeeze %dma_start3A_26 : memref<1x1x16384xf32, #tpu.memory_space<hbm>> -> memref<16384xf32, #tpu.memory_space<hbm>>
    %dma_start3A_28 = arith.constant 0 : i32
    %dma_start3A_29 = tpu.memref_slice %arg8[%dma_start3A_28] : memref<16384xf32, #tpu.memory_space<vmem>> -> memref<16384xf32, #tpu.memory_space<vmem>>
    %dma_start3A_30 = arith.constant 0 : i32
    %dma_start3A_31 = tpu.memref_slice %arg2[%add3A, %dma_start3A_22, %dma_start3A_30] : memref<32x128x16384xf32, #tpu.memory_space<hbm>> -> memref<1x1x16384xf32, #tpu.memory_space<hbm>>
    %dma_start3A_32 = tpu.memref_squeeze %dma_start3A_31 : memref<1x1x16384xf32, #tpu.memory_space<hbm>> -> memref<16384xf32, #tpu.memory_space<hbm>>
    tpu.enqueue_dma source(%dma_start3A_32 : memref<16384xf32, #tpu.memory_space<hbm>>) target(%dma_start3A_29 : memref<16384xf32, #tpu.memory_space<vmem>>) target_semaphore(%arg16 : memref<!tpu.dma_semaphore, #tpu.memory_space<semaphore_mem>>)
    %dma_start3A_33 = arith.constant 3 : i32
    %dma_start3A_34 = arith.constant 0 : i32
    %dma_start3A_35 = tpu.memref_slice %arg9[%dma_start3A_34] : memref<16384xf32, #tpu.memory_space<vmem>> -> memref<16384xf32, #tpu.memory_space<vmem>>
    %dma_start3A_36 = arith.constant 0 : i32
    %dma_start3A_37 = tpu.memref_slice %arg2[%add3A, %dma_start3A_33, %dma_start3A_36] : memref<32x128x16384xf32, #tpu.memory_space<hbm>> -> memref<1x1x16384xf32, #tpu.memory_space<hbm>>
    %dma_start3A_38 = tpu.memref_squeeze %dma_start3A_37 : memref<1x1x16384xf32, #tpu.memory_space<hbm>> -> memref<16384xf32, #tpu.memory_space<hbm>>
    %dma_start3A_39 = arith.constant 0 : i32
    %dma_start3A_40 = tpu.memref_slice %arg9[%dma_start3A_39] : memref<16384xf32, #tpu.memory_space<vmem>> -> memref<16384xf32, #tpu.memory_space<vmem>>
    %dma_start3A_41 = arith.constant 0 : i32
    %dma_start3A_42 = tpu.memref_slice %arg2[%add3A, %dma_start3A_33, %dma_start3A_41] : memref<32x128x16384xf32, #tpu.memory_space<hbm>> -> memref<1x1x16384xf32, #tpu.memory_space<hbm>>
    %dma_start3A_43 = tpu.memref_squeeze %dma_start3A_42 : memref<1x1x16384xf32, #tpu.memory_space<hbm>> -> memref<16384xf32, #tpu.memory_space<hbm>>
    tpu.enqueue_dma source(%dma_start3A_43 : memref<16384xf32, #tpu.memory_space<hbm>>) target(%dma_start3A_40 : memref<16384xf32, #tpu.memory_space<vmem>>) target_semaphore(%arg17 : memref<!tpu.dma_semaphore, #tpu.memory_space<semaphore_mem>>)
    %scan3A = arith.constant 0 : i32
    %scan3A_44 = arith.constant 0 : i32
    %scan3A_45 = arith.constant 32 : i32
    %scan3A_46 = arith.addi %scan3A_44, %scan3A_45 : i32
    %scan3A_47 = arith.constant 1 : i32
    scf.for %scan3A_92 = %scan3A_44 to %scan3A_46 step %scan3A_47  : i32 {
      %mul3A_93 = arith.constant 4 : i32
      %mul3A_94 = arith.muli %scan3A_92, %mul3A_93 : i32
      %add3A_95 = arith.constant 0 : i32
      %add3A_96 = arith.addi %mul3A_94, %add3A_95 : i32
      %mul3A_97 = arith.constant 1 : i32
      %mul3A_98 = arith.muli %add3A_96, %mul3A_97 : i32
      %add3A_99 = arith.constant 0 : i32
      %add3A_100 = arith.addi %mul3A_98, %add3A_99 : i32
      %dma_wait3A_101 = arith.constant 0 : i32
      %dma_wait3A_102 = tpu.memref_slice %arg6[%dma_wait3A_101] : memref<16384xf32, #tpu.memory_space<vmem>> -> memref<16384xf32, #tpu.memory_space<vmem>>
      %dma_wait3A_103 = arith.constant 0 : i32
      %dma_wait3A_104 = tpu.memref_slice %arg2[%add3A, %add3A_100, %dma_wait3A_103] : memref<32x128x16384xf32, #tpu.memory_space<hbm>> -> memref<1x1x16384xf32, #tpu.memory_space<hbm>>
      %dma_wait3A_105 = tpu.memref_squeeze %dma_wait3A_104 : memref<1x1x16384xf32, #tpu.memory_space<hbm>> -> memref<16384xf32, #tpu.memory_space<hbm>>
      %dma_wait3A_106 = arith.constant 0 : i32
      %dma_wait3A_107 = tpu.memref_slice %arg6[%dma_wait3A_106] : memref<16384xf32, #tpu.memory_space<vmem>> -> memref<16384xf32, #tpu.memory_space<vmem>>
      %dma_wait3A_108 = arith.constant 0 : i32
      %dma_wait3A_109 = tpu.memref_slice %arg2[%add3A, %add3A_100, %dma_wait3A_108] : memref<32x128x16384xf32, #tpu.memory_space<hbm>> -> memref<1x1x16384xf32, #tpu.memory_space<hbm>>
      %dma_wait3A_110 = tpu.memref_squeeze %dma_wait3A_109 : memref<1x1x16384xf32, #tpu.memory_space<hbm>> -> memref<16384xf32, #tpu.memory_space<hbm>>
      tpu.wait_dma2 semaphore(%arg14 : memref<!tpu.dma_semaphore, #tpu.memory_space<semaphore_mem>>) src(%dma_wait3A_110 : memref<16384xf32, #tpu.memory_space<hbm>>) dst(%dma_wait3A_107 : memref<16384xf32, #tpu.memory_space<vmem>>)
      %gt3A = arith.constant 0 : i32
      %gt3A_111 = arith.cmpi sgt, %scan3A_92, %gt3A : i32
      %convert_element_type3A = arith.extui %gt3A_111 : i1 to i32
      %cond3A = arith.constant 0 : i32
      %cond3A_112 = arith.cmpi ne, %convert_element_type3A, %cond3A : i32
      scf.if %cond3A_112 {
        %sub3A = arith.constant 4 : i32
        %sub3A_276 = arith.subi %add3A_96, %sub3A : i32
        %mul3A_277 = arith.constant 1 : i32
        %mul3A_278 = arith.muli %sub3A_276, %mul3A_277 : i32
        %add3A_279 = arith.constant 0 : i32
        %add3A_280 = arith.addi %mul3A_278, %add3A_279 : i32
        %dma_wait3A_281 = arith.constant 0 : i32
        %dma_wait3A_282 = tpu.memref_slice %arg10[%dma_wait3A_281] : memref<4096xf32, #tpu.memory_space<vmem>> -> memref<4096xf32, #tpu.memory_space<vmem>>
        %dma_wait3A_283 = arith.constant 0 : i32
        %dma_wait3A_284 = tpu.memref_slice %arg4[%add3A, %add3A_280, %dma_wait3A_283] : memref<32x128x4096xf32, #tpu.memory_space<hbm>> -> memref<1x1x4096xf32, #tpu.memory_space<hbm>>
        %dma_wait3A_285 = tpu.memref_squeeze %dma_wait3A_284 : memref<1x1x4096xf32, #tpu.memory_space<hbm>> -> memref<4096xf32, #tpu.memory_space<hbm>>
        %dma_wait3A_286 = arith.constant 0 : i32
        %dma_wait3A_287 = tpu.memref_slice %arg4[%add3A, %add3A_280, %dma_wait3A_286] : memref<32x128x4096xf32, #tpu.memory_space<hbm>> -> memref<1x1x4096xf32, #tpu.memory_space<hbm>>
        %dma_wait3A_288 = tpu.memref_squeeze %dma_wait3A_287 : memref<1x1x4096xf32, #tpu.memory_space<hbm>> -> memref<4096xf32, #tpu.memory_space<hbm>>
        %dma_wait3A_289 = arith.constant 0 : i32
        %dma_wait3A_290 = tpu.memref_slice %arg10[%dma_wait3A_289] : memref<4096xf32, #tpu.memory_space<vmem>> -> memref<4096xf32, #tpu.memory_space<vmem>>
        tpu.wait_dma2 semaphore(%arg18 : memref<!tpu.dma_semaphore, #tpu.memory_space<semaphore_mem>>) src(%dma_wait3A_290 : memref<4096xf32, #tpu.memory_space<vmem>>) dst(%dma_wait3A_288 : memref<4096xf32, #tpu.memory_space<hbm>>)
      } else {
      }
      %parallel_loop3A = arith.constant 0 : i32
      %parallel_loop3A_113 = arith.constant 4096 : i32
      %parallel_loop3A_114 = arith.constant 16 : i32
      scf.for %parallel_loop3A_276 = %parallel_loop3A to %parallel_loop3A_113 step %parallel_loop3A_114  : i32 {
        %parallel_loop3A_277 = tpu.assume_multiple %parallel_loop3A_276, 16 : i32
        %parallel_loop3A_278 = arith.index_cast %parallel_loop3A_277 : i32 to index
        %parallel_loop3A_279 = tpu.vector_load %arg5[%parallel_loop3A_278] {strides = array<i32>} : memref<4096xi32, #tpu.memory_space<vmem>>, vector<16xi32>,
        %parallel_loop3A_280 = tpu.vector_load_idx %arg6[%parallel_loop3A_279] : memref<16384xf32, #tpu.memory_space<vmem>>[vector<16xi32>], vector<16xf32>,
        %parallel_loop3A_281 = arith.constant 0 : i32
        %parallel_loop3A_282 = arith.addi %parallel_loop3A_281, %parallel_loop3A_277 : i32
        %parallel_loop3A_283 = arith.index_cast %parallel_loop3A_282 : i32 to index
        %parallel_loop3A_284 = tpu.vector_load %arg10[%parallel_loop3A_283] {strides = array<i32>} : memref<4096xf32, #tpu.memory_space<vmem>>, vector<16xf32>,
        tpu.vector_store %arg10[%parallel_loop3A_283], %parallel_loop3A_280 {strides = array<i32>} : memref<4096xf32, #tpu.memory_space<vmem>>, vector<16xf32>,
      } {sc.loop_unroll_factor = 8 : i64, sc.parallel_access}
      %mul3A_115 = arith.constant 1 : i32
      %mul3A_116 = arith.muli %add3A_96, %mul3A_115 : i32
      %add3A_117 = arith.constant 0 : i32
      %add3A_118 = arith.addi %mul3A_116, %add3A_117 : i32
      %dma_start3A_119 = arith.constant 0 : i32
      %dma_start3A_120 = tpu.memref_slice %arg10[%dma_start3A_119] : memref<4096xf32, #tpu.memory_space<vmem>> -> memref<4096xf32, #tpu.memory_space<vmem>>
      %dma_start3A_121 = arith.constant 0 : i32
      %dma_start3A_122 = tpu.memref_slice %arg4[%add3A, %add3A_118, %dma_start3A_121] : memref<32x128x4096xf32, #tpu.memory_space<hbm>> -> memref<1x1x4096xf32, #tpu.memory_space<hbm>>
      %dma_start3A_123 = tpu.memref_squeeze %dma_start3A_122 : memref<1x1x4096xf32, #tpu.memory_space<hbm>> -> memref<4096xf32, #tpu.memory_space<hbm>>
      %dma_start3A_124 = arith.constant 0 : i32
      %dma_start3A_125 = tpu.memref_slice %arg4[%add3A, %add3A_118, %dma_start3A_124] : memref<32x128x4096xf32, #tpu.memory_space<hbm>> -> memref<1x1x4096xf32, #tpu.memory_space<hbm>>
      %dma_start3A_126 = tpu.memref_squeeze %dma_start3A_125 : memref<1x1x4096xf32, #tpu.memory_space<hbm>> -> memref<4096xf32, #tpu.memory_space<hbm>>
      %dma_start3A_127 = arith.constant 0 : i32
      %dma_start3A_128 = tpu.memref_slice %arg10[%dma_start3A_127] : memref<4096xf32, #tpu.memory_space<vmem>> -> memref<4096xf32, #tpu.memory_space<vmem>>
      tpu.enqueue_dma source(%dma_start3A_128 : memref<4096xf32, #tpu.memory_space<vmem>>) target(%dma_start3A_126 : memref<4096xf32, #tpu.memory_space<hbm>>) target_semaphore(%arg18 : memref<!tpu.dma_semaphore, #tpu.memory_space<semaphore_mem>>)
      %add3A_129 = arith.constant 4 : i32
      %add3A_130 = arith.addi %add3A_96, %add3A_129 : i32
      %lt3A = arith.constant 128 : i32
      %lt3A_131 = arith.cmpi slt, %add3A_130, %lt3A : i32
      %convert_element_type3A_132 = arith.extui %lt3A_131 : i1 to i32
      %cond3A_133 = arith.constant 0 : i32
      %cond3A_134 = arith.cmpi ne, %convert_element_type3A_132, %cond3A_133 : i32
      scf.if %cond3A_134 {
        %add3A_276 = arith.constant 4 : i32
        %add3A_277 = arith.addi %add3A_96, %add3A_276 : i32
        %mul3A_278 = arith.constant 1 : i32
        %mul3A_279 = arith.muli %add3A_277, %mul3A_278 : i32
        %add3A_280 = arith.constant 0 : i32
        %add3A_281 = arith.addi %mul3A_279, %add3A_280 : i32
        %dma_start3A_282 = arith.constant 0 : i32
        %dma_start3A_283 = tpu.memref_slice %arg6[%dma_start3A_282] : memref<16384xf32, #tpu.memory_space<vmem>> -> memref<16384xf32, #tpu.memory_space<vmem>>
        %dma_start3A_284 = arith.constant 0 : i32
        %dma_start3A_285 = tpu.memref_slice %arg2[%add3A, %add3A_281, %dma_start3A_284] : memref<32x128x16384xf32, #tpu.memory_space<hbm>> -> memref<1x1x16384xf32, #tpu.memory_space<hbm>>
        %dma_start3A_286 = tpu.memref_squeeze %dma_start3A_285 : memref<1x1x16384xf32, #tpu.memory_space<hbm>> -> memref<16384xf32, #tpu.memory_space<hbm>>
        %dma_start3A_287 = arith.constant 0 : i32
        %dma_start3A_288 = tpu.memref_slice %arg6[%dma_start3A_287] : memref<16384xf32, #tpu.memory_space<vmem>> -> memref<16384xf32, #tpu.memory_space<vmem>>
        %dma_start3A_289 = arith.constant 0 : i32
        %dma_start3A_290 = tpu.memref_slice %arg2[%add3A, %add3A_281, %dma_start3A_289] : memref<32x128x16384xf32, #tpu.memory_space<hbm>> -> memref<1x1x16384xf32, #tpu.memory_space<hbm>>
        %dma_start3A_291 = tpu.memref_squeeze %dma_start3A_290 : memref<1x1x16384xf32, #tpu.memory_space<hbm>> -> memref<16384xf32, #tpu.memory_space<hbm>>
        tpu.enqueue_dma source(%dma_start3A_291 : memref<16384xf32, #tpu.memory_space<hbm>>) target(%dma_start3A_288 : memref<16384xf32, #tpu.memory_space<vmem>>) target_semaphore(%arg14 : memref<!tpu.dma_semaphore, #tpu.memory_space<semaphore_mem>>)
      } else {
      }
      %mul3A_135 = arith.constant 4 : i32
      %mul3A_136 = arith.muli %scan3A_92, %mul3A_135 : i32
      %add3A_137 = arith.constant 1 : i32
      %add3A_138 = arith.addi %mul3A_136, %add3A_137 : i32
      %mul3A_139 = arith.constant 1 : i32
      %mul3A_140 = arith.muli %add3A_138, %mul3A_139 : i32
      %add3A_141 = arith.constant 0 : i32
      %add3A_142 = arith.addi %mul3A_140, %add3A_141 : i32
      %dma_wait3A_143 = arith.constant 0 : i32
      %dma_wait3A_144 = tpu.memref_slice %arg7[%dma_wait3A_143] : memref<16384xf32, #tpu.memory_space<vmem>> -> memref<16384xf32, #tpu.memory_space<vmem>>
      %dma_wait3A_145 = arith.constant 0 : i32
      %dma_wait3A_146 = tpu.memref_slice %arg2[%add3A, %add3A_142, %dma_wait3A_145] : memref<32x128x16384xf32, #tpu.memory_space<hbm>> -> memref<1x1x16384xf32, #tpu.memory_space<hbm>>
      %dma_wait3A_147 = tpu.memref_squeeze %dma_wait3A_146 : memref<1x1x16384xf32, #tpu.memory_space<hbm>> -> memref<16384xf32, #tpu.memory_space<hbm>>
      %dma_wait3A_148 = arith.constant 0 : i32
      %dma_wait3A_149 = tpu.memref_slice %arg7[%dma_wait3A_148] : memref<16384xf32, #tpu.memory_space<vmem>> -> memref<16384xf32, #tpu.memory_space<vmem>>
      %dma_wait3A_150 = arith.constant 0 : i32
      %dma_wait3A_151 = tpu.memref_slice %arg2[%add3A, %add3A_142, %dma_wait3A_150] : memref<32x128x16384xf32, #tpu.memory_space<hbm>> -> memref<1x1x16384xf32, #tpu.memory_space<hbm>>
      %dma_wait3A_152 = tpu.memref_squeeze %dma_wait3A_151 : memref<1x1x16384xf32, #tpu.memory_space<hbm>> -> memref<16384xf32, #tpu.memory_space<hbm>>
      tpu.wait_dma2 semaphore(%arg15 : memref<!tpu.dma_semaphore, #tpu.memory_space<semaphore_mem>>) src(%dma_wait3A_152 : memref<16384xf32, #tpu.memory_space<hbm>>) dst(%dma_wait3A_149 : memref<16384xf32, #tpu.memory_space<vmem>>)
      %gt3A_153 = arith.constant 0 : i32
      %gt3A_154 = arith.cmpi sgt, %scan3A_92, %gt3A_153 : i32
      %convert_element_type3A_155 = arith.extui %gt3A_154 : i1 to i32
      %cond3A_156 = arith.constant 0 : i32
      %cond3A_157 = arith.cmpi ne, %convert_element_type3A_155, %cond3A_156 : i32
      scf.if %cond3A_157 {
        %sub3A = arith.constant 4 : i32
        %sub3A_276 = arith.subi %add3A_138, %sub3A : i32
        %mul3A_277 = arith.constant 1 : i32
        %mul3A_278 = arith.muli %sub3A_276, %mul3A_277 : i32
        %add3A_279 = arith.constant 0 : i32
        %add3A_280 = arith.addi %mul3A_278, %add3A_279 : i32
        %dma_wait3A_281 = arith.constant 0 : i32
        %dma_wait3A_282 = tpu.memref_slice %arg11[%dma_wait3A_281] : memref<4096xf32, #tpu.memory_space<vmem>> -> memref<4096xf32, #tpu.memory_space<vmem>>
        %dma_wait3A_283 = arith.constant 0 : i32
        %dma_wait3A_284 = tpu.memref_slice %arg4[%add3A, %add3A_280, %dma_wait3A_283] : memref<32x128x4096xf32, #tpu.memory_space<hbm>> -> memref<1x1x4096xf32, #tpu.memory_space<hbm>>
        %dma_wait3A_285 = tpu.memref_squeeze %dma_wait3A_284 : memref<1x1x4096xf32, #tpu.memory_space<hbm>> -> memref<4096xf32, #tpu.memory_space<hbm>>
        %dma_wait3A_286 = arith.constant 0 : i32
        %dma_wait3A_287 = tpu.memref_slice %arg4[%add3A, %add3A_280, %dma_wait3A_286] : memref<32x128x4096xf32, #tpu.memory_space<hbm>> -> memref<1x1x4096xf32, #tpu.memory_space<hbm>>
        %dma_wait3A_288 = tpu.memref_squeeze %dma_wait3A_287 : memref<1x1x4096xf32, #tpu.memory_space<hbm>> -> memref<4096xf32, #tpu.memory_space<hbm>>
        %dma_wait3A_289 = arith.constant 0 : i32
        %dma_wait3A_290 = tpu.memref_slice %arg11[%dma_wait3A_289] : memref<4096xf32, #tpu.memory_space<vmem>> -> memref<4096xf32, #tpu.memory_space<vmem>>
        tpu.wait_dma2 semaphore(%arg19 : memref<!tpu.dma_semaphore, #tpu.memory_space<semaphore_mem>>) src(%dma_wait3A_290 : memref<4096xf32, #tpu.memory_space<vmem>>) dst(%dma_wait3A_288 : memref<4096xf32, #tpu.memory_space<hbm>>)
      } else {
      }
      %parallel_loop3A_158 = arith.constant 0 : i32
      %parallel_loop3A_159 = arith.constant 4096 : i32
      %parallel_loop3A_160 = arith.constant 16 : i32
      scf.for %parallel_loop3A_276 = %parallel_loop3A_158 to %parallel_loop3A_159 step %parallel_loop3A_160  : i32 {
        %parallel_loop3A_277 = tpu.assume_multiple %parallel_loop3A_276, 16 : i32
        %parallel_loop3A_278 = arith.index_cast %parallel_loop3A_277 : i32 to index
        %parallel_loop3A_279 = tpu.vector_load %arg5[%parallel_loop3A_278] {strides = array<i32>} : memref<4096xi32, #tpu.memory_space<vmem>>, vector<16xi32>,
        %parallel_loop3A_280 = tpu.vector_load_idx %arg7[%parallel_loop3A_279] : memref<16384xf32, #tpu.memory_space<vmem>>[vector<16xi32>], vector<16xf32>,
        %parallel_loop3A_281 = arith.constant 0 : i32
        %parallel_loop3A_282 = arith.addi %parallel_loop3A_281, %parallel_loop3A_277 : i32
        %parallel_loop3A_283 = arith.index_cast %parallel_loop3A_282 : i32 to index
        %parallel_loop3A_284 = tpu.vector_load %arg11[%parallel_loop3A_283] {strides = array<i32>} : memref<4096xf32, #tpu.memory_space<vmem>>, vector<16xf32>,
        tpu.vector_store %arg11[%parallel_loop3A_283], %parallel_loop3A_280 {strides = array<i32>} : memref<4096xf32, #tpu.memory_space<vmem>>, vector<16xf32>,
      } {sc.loop_unroll_factor = 8 : i64, sc.parallel_access}
      %mul3A_161 = arith.constant 1 : i32
      %mul3A_162 = arith.muli %add3A_138, %mul3A_161 : i32
      %add3A_163 = arith.constant 0 : i32
      %add3A_164 = arith.addi %mul3A_162, %add3A_163 : i32
      %dma_start3A_165 = arith.constant 0 : i32
      %dma_start3A_166 = tpu.memref_slice %arg11[%dma_start3A_165] : memref<4096xf32, #tpu.memory_space<vmem>> -> memref<4096xf32, #tpu.memory_space<vmem>>
      %dma_start3A_167 = arith.constant 0 : i32
      %dma_start3A_168 = tpu.memref_slice %arg4[%add3A, %add3A_164, %dma_start3A_167] : memref<32x128x4096xf32, #tpu.memory_space<hbm>> -> memref<1x1x4096xf32, #tpu.memory_space<hbm>>
      %dma_start3A_169 = tpu.memref_squeeze %dma_start3A_168 : memref<1x1x4096xf32, #tpu.memory_space<hbm>> -> memref<4096xf32, #tpu.memory_space<hbm>>
      %dma_start3A_170 = arith.constant 0 : i32
      %dma_start3A_171 = tpu.memref_slice %arg4[%add3A, %add3A_164, %dma_start3A_170] : memref<32x128x4096xf32, #tpu.memory_space<hbm>> -> memref<1x1x4096xf32, #tpu.memory_space<hbm>>
      %dma_start3A_172 = tpu.memref_squeeze %dma_start3A_171 : memref<1x1x4096xf32, #tpu.memory_space<hbm>> -> memref<4096xf32, #tpu.memory_space<hbm>>
      %dma_start3A_173 = arith.constant 0 : i32
      %dma_start3A_174 = tpu.memref_slice %arg11[%dma_start3A_173] : memref<4096xf32, #tpu.memory_space<vmem>> -> memref<4096xf32, #tpu.memory_space<vmem>>
      tpu.enqueue_dma source(%dma_start3A_174 : memref<4096xf32, #tpu.memory_space<vmem>>) target(%dma_start3A_172 : memref<4096xf32, #tpu.memory_space<hbm>>) target_semaphore(%arg19 : memref<!tpu.dma_semaphore, #tpu.memory_space<semaphore_mem>>)
      %add3A_175 = arith.constant 4 : i32
      %add3A_176 = arith.addi %add3A_138, %add3A_175 : i32
      %lt3A_177 = arith.constant 128 : i32
      %lt3A_178 = arith.cmpi slt, %add3A_176, %lt3A_177 : i32
      %convert_element_type3A_179 = arith.extui %lt3A_178 : i1 to i32
      %cond3A_180 = arith.constant 0 : i32
      %cond3A_181 = arith.cmpi ne, %convert_element_type3A_179, %cond3A_180 : i32
      scf.if %cond3A_181 {
        %add3A_276 = arith.constant 4 : i32
        %add3A_277 = arith.addi %add3A_138, %add3A_276 : i32
        %mul3A_278 = arith.constant 1 : i32
        %mul3A_279 = arith.muli %add3A_277, %mul3A_278 : i32
        %add3A_280 = arith.constant 0 : i32
        %add3A_281 = arith.addi %mul3A_279, %add3A_280 : i32
        %dma_start3A_282 = arith.constant 0 : i32
        %dma_start3A_283 = tpu.memref_slice %arg7[%dma_start3A_282] : memref<16384xf32, #tpu.memory_space<vmem>> -> memref<16384xf32, #tpu.memory_space<vmem>>
        %dma_start3A_284 = arith.constant 0 : i32
        %dma_start3A_285 = tpu.memref_slice %arg2[%add3A, %add3A_281, %dma_start3A_284] : memref<32x128x16384xf32, #tpu.memory_space<hbm>> -> memref<1x1x16384xf32, #tpu.memory_space<hbm>>
        %dma_start3A_286 = tpu.memref_squeeze %dma_start3A_285 : memref<1x1x16384xf32, #tpu.memory_space<hbm>> -> memref<16384xf32, #tpu.memory_space<hbm>>
        %dma_start3A_287 = arith.constant 0 : i32
        %dma_start3A_288 = tpu.memref_slice %arg7[%dma_start3A_287] : memref<16384xf32, #tpu.memory_space<vmem>> -> memref<16384xf32, #tpu.memory_space<vmem>>
        %dma_start3A_289 = arith.constant 0 : i32
        %dma_start3A_290 = tpu.memref_slice %arg2[%add3A, %add3A_281, %dma_start3A_289] : memref<32x128x16384xf32, #tpu.memory_space<hbm>> -> memref<1x1x16384xf32, #tpu.memory_space<hbm>>
        %dma_start3A_291 = tpu.memref_squeeze %dma_start3A_290 : memref<1x1x16384xf32, #tpu.memory_space<hbm>> -> memref<16384xf32, #tpu.memory_space<hbm>>
        tpu.enqueue_dma source(%dma_start3A_291 : memref<16384xf32, #tpu.memory_space<hbm>>) target(%dma_start3A_288 : memref<16384xf32, #tpu.memory_space<vmem>>) target_semaphore(%arg15 : memref<!tpu.dma_semaphore, #tpu.memory_space<semaphore_mem>>)
      } else {
      }
      %mul3A_182 = arith.constant 4 : i32
      %mul3A_183 = arith.muli %scan3A_92, %mul3A_182 : i32
      %add3A_184 = arith.constant 2 : i32
      %add3A_185 = arith.addi %mul3A_183, %add3A_184 : i32
      %mul3A_186 = arith.constant 1 : i32
      %mul3A_187 = arith.muli %add3A_185, %mul3A_186 : i32
      %add3A_188 = arith.constant 0 : i32
      %add3A_189 = arith.addi %mul3A_187, %add3A_188 : i32
      %dma_wait3A_190 = arith.constant 0 : i32
      %dma_wait3A_191 = tpu.memref_slice %arg8[%dma_wait3A_190] : memref<16384xf32, #tpu.memory_space<vmem>> -> memref<16384xf32, #tpu.memory_space<vmem>>
      %dma_wait3A_192 = arith.constant 0 : i32
      %dma_wait3A_193 = tpu.memref_slice %arg2[%add3A, %add3A_189, %dma_wait3A_192] : memref<32x128x16384xf32, #tpu.memory_space<hbm>> -> memref<1x1x16384xf32, #tpu.memory_space<hbm>>
      %dma_wait3A_194 = tpu.memref_squeeze %dma_wait3A_193 : memref<1x1x16384xf32, #tpu.memory_space<hbm>> -> memref<16384xf32, #tpu.memory_space<hbm>>
      %dma_wait3A_195 = arith.constant 0 : i32
      %dma_wait3A_196 = tpu.memref_slice %arg8[%dma_wait3A_195] : memref<16384xf32, #tpu.memory_space<vmem>> -> memref<16384xf32, #tpu.memory_space<vmem>>
      %dma_wait3A_197 = arith.constant 0 : i32
      %dma_wait3A_198 = tpu.memref_slice %arg2[%add3A, %add3A_189, %dma_wait3A_197] : memref<32x128x16384xf32, #tpu.memory_space<hbm>> -> memref<1x1x16384xf32, #tpu.memory_space<hbm>>
      %dma_wait3A_199 = tpu.memref_squeeze %dma_wait3A_198 : memref<1x1x16384xf32, #tpu.memory_space<hbm>> -> memref<16384xf32, #tpu.memory_space<hbm>>
      tpu.wait_dma2 semaphore(%arg16 : memref<!tpu.dma_semaphore, #tpu.memory_space<semaphore_mem>>) src(%dma_wait3A_199 : memref<16384xf32, #tpu.memory_space<hbm>>) dst(%dma_wait3A_196 : memref<16384xf32, #tpu.memory_space<vmem>>)
      %gt3A_200 = arith.constant 0 : i32
      %gt3A_201 = arith.cmpi sgt, %scan3A_92, %gt3A_200 : i32
      %convert_element_type3A_202 = arith.extui %gt3A_201 : i1 to i32
      %cond3A_203 = arith.constant 0 : i32
      %cond3A_204 = arith.cmpi ne, %convert_element_type3A_202, %cond3A_203 : i32
      scf.if %cond3A_204 {
        %sub3A = arith.constant 4 : i32
        %sub3A_276 = arith.subi %add3A_185, %sub3A : i32
        %mul3A_277 = arith.constant 1 : i32
        %mul3A_278 = arith.muli %sub3A_276, %mul3A_277 : i32
        %add3A_279 = arith.constant 0 : i32
        %add3A_280 = arith.addi %mul3A_278, %add3A_279 : i32
        %dma_wait3A_281 = arith.constant 0 : i32
        %dma_wait3A_282 = tpu.memref_slice %arg12[%dma_wait3A_281] : memref<4096xf32, #tpu.memory_space<vmem>> -> memref<4096xf32, #tpu.memory_space<vmem>>
        %dma_wait3A_283 = arith.constant 0 : i32
        %dma_wait3A_284 = tpu.memref_slice %arg4[%add3A, %add3A_280, %dma_wait3A_283] : memref<32x128x4096xf32, #tpu.memory_space<hbm>> -> memref<1x1x4096xf32, #tpu.memory_space<hbm>>
        %dma_wait3A_285 = tpu.memref_squeeze %dma_wait3A_284 : memref<1x1x4096xf32, #tpu.memory_space<hbm>> -> memref<4096xf32, #tpu.memory_space<hbm>>
        %dma_wait3A_286 = arith.constant 0 : i32
        %dma_wait3A_287 = tpu.memref_slice %arg4[%add3A, %add3A_280, %dma_wait3A_286] : memref<32x128x4096xf32, #tpu.memory_space<hbm>> -> memref<1x1x4096xf32, #tpu.memory_space<hbm>>
        %dma_wait3A_288 = tpu.memref_squeeze %dma_wait3A_287 : memref<1x1x4096xf32, #tpu.memory_space<hbm>> -> memref<4096xf32, #tpu.memory_space<hbm>>
        %dma_wait3A_289 = arith.constant 0 : i32
        %dma_wait3A_290 = tpu.memref_slice %arg12[%dma_wait3A_289] : memref<4096xf32, #tpu.memory_space<vmem>> -> memref<4096xf32, #tpu.memory_space<vmem>>
        tpu.wait_dma2 semaphore(%arg20 : memref<!tpu.dma_semaphore, #tpu.memory_space<semaphore_mem>>) src(%dma_wait3A_290 : memref<4096xf32, #tpu.memory_space<vmem>>) dst(%dma_wait3A_288 : memref<4096xf32, #tpu.memory_space<hbm>>)
      } else {
      }
      %parallel_loop3A_205 = arith.constant 0 : i32
      %parallel_loop3A_206 = arith.constant 4096 : i32
      %parallel_loop3A_207 = arith.constant 16 : i32
      scf.for %parallel_loop3A_276 = %parallel_loop3A_205 to %parallel_loop3A_206 step %parallel_loop3A_207  : i32 {
        %parallel_loop3A_277 = tpu.assume_multiple %parallel_loop3A_276, 16 : i32
        %parallel_loop3A_278 = arith.index_cast %parallel_loop3A_277 : i32 to index
        %parallel_loop3A_279 = tpu.vector_load %arg5[%parallel_loop3A_278] {strides = array<i32>} : memref<4096xi32, #tpu.memory_space<vmem>>, vector<16xi32>,
        %parallel_loop3A_280 = tpu.vector_load_idx %arg8[%parallel_loop3A_279] : memref<16384xf32, #tpu.memory_space<vmem>>[vector<16xi32>], vector<16xf32>,
        %parallel_loop3A_281 = arith.constant 0 : i32
        %parallel_loop3A_282 = arith.addi %parallel_loop3A_281, %parallel_loop3A_277 : i32
        %parallel_loop3A_283 = arith.index_cast %parallel_loop3A_282 : i32 to index
        %parallel_loop3A_284 = tpu.vector_load %arg12[%parallel_loop3A_283] {strides = array<i32>} : memref<4096xf32, #tpu.memory_space<vmem>>, vector<16xf32>,
        tpu.vector_store %arg12[%parallel_loop3A_283], %parallel_loop3A_280 {strides = array<i32>} : memref<4096xf32, #tpu.memory_space<vmem>>, vector<16xf32>,
      } {sc.loop_unroll_factor = 8 : i64, sc.parallel_access}
      %mul3A_208 = arith.constant 1 : i32
      %mul3A_209 = arith.muli %add3A_185, %mul3A_208 : i32
      %add3A_210 = arith.constant 0 : i32
      %add3A_211 = arith.addi %mul3A_209, %add3A_210 : i32
      %dma_start3A_212 = arith.constant 0 : i32
      %dma_start3A_213 = tpu.memref_slice %arg12[%dma_start3A_212] : memref<4096xf32, #tpu.memory_space<vmem>> -> memref<4096xf32, #tpu.memory_space<vmem>>
      %dma_start3A_214 = arith.constant 0 : i32
      %dma_start3A_215 = tpu.memref_slice %arg4[%add3A, %add3A_211, %dma_start3A_214] : memref<32x128x4096xf32, #tpu.memory_space<hbm>> -> memref<1x1x4096xf32, #tpu.memory_space<hbm>>
      %dma_start3A_216 = tpu.memref_squeeze %dma_start3A_215 : memref<1x1x4096xf32, #tpu.memory_space<hbm>> -> memref<4096xf32, #tpu.memory_space<hbm>>
      %dma_start3A_217 = arith.constant 0 : i32
      %dma_start3A_218 = tpu.memref_slice %arg4[%add3A, %add3A_211, %dma_start3A_217] : memref<32x128x4096xf32, #tpu.memory_space<hbm>> -> memref<1x1x4096xf32, #tpu.memory_space<hbm>>
      %dma_start3A_219 = tpu.memref_squeeze %dma_start3A_218 : memref<1x1x4096xf32, #tpu.memory_space<hbm>> -> memref<4096xf32, #tpu.memory_space<hbm>>
      %dma_start3A_220 = arith.constant 0 : i32
      %dma_start3A_221 = tpu.memref_slice %arg12[%dma_start3A_220] : memref<4096xf32, #tpu.memory_space<vmem>> -> memref<4096xf32, #tpu.memory_space<vmem>>
      tpu.enqueue_dma source(%dma_start3A_221 : memref<4096xf32, #tpu.memory_space<vmem>>) target(%dma_start3A_219 : memref<4096xf32, #tpu.memory_space<hbm>>) target_semaphore(%arg20 : memref<!tpu.dma_semaphore, #tpu.memory_space<semaphore_mem>>)
      %add3A_222 = arith.constant 4 : i32
      %add3A_223 = arith.addi %add3A_185, %add3A_222 : i32
      %lt3A_224 = arith.constant 128 : i32
      %lt3A_225 = arith.cmpi slt, %add3A_223, %lt3A_224 : i32
      %convert_element_type3A_226 = arith.extui %lt3A_225 : i1 to i32
      %cond3A_227 = arith.constant 0 : i32
      %cond3A_228 = arith.cmpi ne, %convert_element_type3A_226, %cond3A_227 : i32
      scf.if %cond3A_228 {
        %add3A_276 = arith.constant 4 : i32
        %add3A_277 = arith.addi %add3A_185, %add3A_276 : i32
        %mul3A_278 = arith.constant 1 : i32
        %mul3A_279 = arith.muli %add3A_277, %mul3A_278 : i32
        %add3A_280 = arith.constant 0 : i32
        %add3A_281 = arith.addi %mul3A_279, %add3A_280 : i32
        %dma_start3A_282 = arith.constant 0 : i32
        %dma_start3A_283 = tpu.memref_slice %arg8[%dma_start3A_282] : memref<16384xf32, #tpu.memory_space<vmem>> -> memref<16384xf32, #tpu.memory_space<vmem>>
        %dma_start3A_284 = arith.constant 0 : i32
        %dma_start3A_285 = tpu.memref_slice %arg2[%add3A, %add3A_281, %dma_start3A_284] : memref<32x128x16384xf32, #tpu.memory_space<hbm>> -> memref<1x1x16384xf32, #tpu.memory_space<hbm>>
        %dma_start3A_286 = tpu.memref_squeeze %dma_start3A_285 : memref<1x1x16384xf32, #tpu.memory_space<hbm>> -> memref<16384xf32, #tpu.memory_space<hbm>>
        %dma_start3A_287 = arith.constant 0 : i32
        %dma_start3A_288 = tpu.memref_slice %arg8[%dma_start3A_287] : memref<16384xf32, #tpu.memory_space<vmem>> -> memref<16384xf32, #tpu.memory_space<vmem>>
        %dma_start3A_289 = arith.constant 0 : i32
        %dma_start3A_290 = tpu.memref_slice %arg2[%add3A, %add3A_281, %dma_start3A_289] : memref<32x128x16384xf32, #tpu.memory_space<hbm>> -> memref<1x1x16384xf32, #tpu.memory_space<hbm>>
        %dma_start3A_291 = tpu.memref_squeeze %dma_start3A_290 : memref<1x1x16384xf32, #tpu.memory_space<hbm>> -> memref<16384xf32, #tpu.memory_space<hbm>>
        tpu.enqueue_dma source(%dma_start3A_291 : memref<16384xf32, #tpu.memory_space<hbm>>) target(%dma_start3A_288 : memref<16384xf32, #tpu.memory_space<vmem>>) target_semaphore(%arg16 : memref<!tpu.dma_semaphore, #tpu.memory_space<semaphore_mem>>)
      } else {
      }
      %mul3A_229 = arith.constant 4 : i32
      %mul3A_230 = arith.muli %scan3A_92, %mul3A_229 : i32
      %add3A_231 = arith.constant 3 : i32
      %add3A_232 = arith.addi %mul3A_230, %add3A_231 : i32
      %mul3A_233 = arith.constant 1 : i32
      %mul3A_234 = arith.muli %add3A_232, %mul3A_233 : i32
      %add3A_235 = arith.constant 0 : i32
      %add3A_236 = arith.addi %mul3A_234, %add3A_235 : i32
      %dma_wait3A_237 = arith.constant 0 : i32
      %dma_wait3A_238 = tpu.memref_slice %arg9[%dma_wait3A_237] : memref<16384xf32, #tpu.memory_space<vmem>> -> memref<16384xf32, #tpu.memory_space<vmem>>
      %dma_wait3A_239 = arith.constant 0 : i32
      %dma_wait3A_240 = tpu.memref_slice %arg2[%add3A, %add3A_236, %dma_wait3A_239] : memref<32x128x16384xf32, #tpu.memory_space<hbm>> -> memref<1x1x16384xf32, #tpu.memory_space<hbm>>
      %dma_wait3A_241 = tpu.memref_squeeze %dma_wait3A_240 : memref<1x1x16384xf32, #tpu.memory_space<hbm>> -> memref<16384xf32, #tpu.memory_space<hbm>>
      %dma_wait3A_242 = arith.constant 0 : i32
      %dma_wait3A_243 = tpu.memref_slice %arg9[%dma_wait3A_242] : memref<16384xf32, #tpu.memory_space<vmem>> -> memref<16384xf32, #tpu.memory_space<vmem>>
      %dma_wait3A_244 = arith.constant 0 : i32
      %dma_wait3A_245 = tpu.memref_slice %arg2[%add3A, %add3A_236, %dma_wait3A_244] : memref<32x128x16384xf32, #tpu.memory_space<hbm>> -> memref<1x1x16384xf32, #tpu.memory_space<hbm>>
      %dma_wait3A_246 = tpu.memref_squeeze %dma_wait3A_245 : memref<1x1x16384xf32, #tpu.memory_space<hbm>> -> memref<16384xf32, #tpu.memory_space<hbm>>
      tpu.wait_dma2 semaphore(%arg17 : memref<!tpu.dma_semaphore, #tpu.memory_space<semaphore_mem>>) src(%dma_wait3A_246 : memref<16384xf32, #tpu.memory_space<hbm>>) dst(%dma_wait3A_243 : memref<16384xf32, #tpu.memory_space<vmem>>)
      %gt3A_247 = arith.constant 0 : i32
      %gt3A_248 = arith.cmpi sgt, %scan3A_92, %gt3A_247 : i32
      %convert_element_type3A_249 = arith.extui %gt3A_248 : i1 to i32
      %cond3A_250 = arith.constant 0 : i32
      %cond3A_251 = arith.cmpi ne, %convert_element_type3A_249, %cond3A_250 : i32
      scf.if %cond3A_251 {
        %sub3A = arith.constant 4 : i32
        %sub3A_276 = arith.subi %add3A_232, %sub3A : i32
        %mul3A_277 = arith.constant 1 : i32
        %mul3A_278 = arith.muli %sub3A_276, %mul3A_277 : i32
        %add3A_279 = arith.constant 0 : i32
        %add3A_280 = arith.addi %mul3A_278, %add3A_279 : i32
        %dma_wait3A_281 = arith.constant 0 : i32
        %dma_wait3A_282 = tpu.memref_slice %arg13[%dma_wait3A_281] : memref<4096xf32, #tpu.memory_space<vmem>> -> memref<4096xf32, #tpu.memory_space<vmem>>
        %dma_wait3A_283 = arith.constant 0 : i32
        %dma_wait3A_284 = tpu.memref_slice %arg4[%add3A, %add3A_280, %dma_wait3A_283] : memref<32x128x4096xf32, #tpu.memory_space<hbm>> -> memref<1x1x4096xf32, #tpu.memory_space<hbm>>
        %dma_wait3A_285 = tpu.memref_squeeze %dma_wait3A_284 : memref<1x1x4096xf32, #tpu.memory_space<hbm>> -> memref<4096xf32, #tpu.memory_space<hbm>>
        %dma_wait3A_286 = arith.constant 0 : i32
        %dma_wait3A_287 = tpu.memref_slice %arg4[%add3A, %add3A_280, %dma_wait3A_286] : memref<32x128x4096xf32, #tpu.memory_space<hbm>> -> memref<1x1x4096xf32, #tpu.memory_space<hbm>>
        %dma_wait3A_288 = tpu.memref_squeeze %dma_wait3A_287 : memref<1x1x4096xf32, #tpu.memory_space<hbm>> -> memref<4096xf32, #tpu.memory_space<hbm>>
        %dma_wait3A_289 = arith.constant 0 : i32
        %dma_wait3A_290 = tpu.memref_slice %arg13[%dma_wait3A_289] : memref<4096xf32, #tpu.memory_space<vmem>> -> memref<4096xf32, #tpu.memory_space<vmem>>
        tpu.wait_dma2 semaphore(%arg21 : memref<!tpu.dma_semaphore, #tpu.memory_space<semaphore_mem>>) src(%dma_wait3A_290 : memref<4096xf32, #tpu.memory_space<vmem>>) dst(%dma_wait3A_288 : memref<4096xf32, #tpu.memory_space<hbm>>)
      } else {
      }
      %parallel_loop3A_252 = arith.constant 0 : i32
      %parallel_loop3A_253 = arith.constant 4096 : i32
      %parallel_loop3A_254 = arith.constant 16 : i32
      scf.for %parallel_loop3A_276 = %parallel_loop3A_252 to %parallel_loop3A_253 step %parallel_loop3A_254  : i32 {
        %parallel_loop3A_277 = tpu.assume_multiple %parallel_loop3A_276, 16 : i32
        %parallel_loop3A_278 = arith.index_cast %parallel_loop3A_277 : i32 to index
        %parallel_loop3A_279 = tpu.vector_load %arg5[%parallel_loop3A_278] {strides = array<i32>} : memref<4096xi32, #tpu.memory_space<vmem>>, vector<16xi32>,
        %parallel_loop3A_280 = tpu.vector_load_idx %arg9[%parallel_loop3A_279] : memref<16384xf32, #tpu.memory_space<vmem>>[vector<16xi32>], vector<16xf32>,
        %parallel_loop3A_281 = arith.constant 0 : i32
        %parallel_loop3A_282 = arith.addi %parallel_loop3A_281, %parallel_loop3A_277 : i32
        %parallel_loop3A_283 = arith.index_cast %parallel_loop3A_282 : i32 to index
        %parallel_loop3A_284 = tpu.vector_load %arg13[%parallel_loop3A_283] {strides = array<i32>} : memref<4096xf32, #tpu.memory_space<vmem>>, vector<16xf32>,
        tpu.vector_store %arg13[%parallel_loop3A_283], %parallel_loop3A_280 {strides = array<i32>} : memref<4096xf32, #tpu.memory_space<vmem>>, vector<16xf32>,
      } {sc.loop_unroll_factor = 8 : i64, sc.parallel_access}
      %mul3A_255 = arith.constant 1 : i32
      %mul3A_256 = arith.muli %add3A_232, %mul3A_255 : i32
      %add3A_257 = arith.constant 0 : i32
      %add3A_258 = arith.addi %mul3A_256, %add3A_257 : i32
      %dma_start3A_259 = arith.constant 0 : i32
      %dma_start3A_260 = tpu.memref_slice %arg13[%dma_start3A_259] : memref<4096xf32, #tpu.memory_space<vmem>> -> memref<4096xf32, #tpu.memory_space<vmem>>
      %dma_start3A_261 = arith.constant 0 : i32
      %dma_start3A_262 = tpu.memref_slice %arg4[%add3A, %add3A_258, %dma_start3A_261] : memref<32x128x4096xf32, #tpu.memory_space<hbm>> -> memref<1x1x4096xf32, #tpu.memory_space<hbm>>
      %dma_start3A_263 = tpu.memref_squeeze %dma_start3A_262 : memref<1x1x4096xf32, #tpu.memory_space<hbm>> -> memref<4096xf32, #tpu.memory_space<hbm>>
      %dma_start3A_264 = arith.constant 0 : i32
      %dma_start3A_265 = tpu.memref_slice %arg4[%add3A, %add3A_258, %dma_start3A_264] : memref<32x128x4096xf32, #tpu.memory_space<hbm>> -> memref<1x1x4096xf32, #tpu.memory_space<hbm>>
      %dma_start3A_266 = tpu.memref_squeeze %dma_start3A_265 : memref<1x1x4096xf32, #tpu.memory_space<hbm>> -> memref<4096xf32, #tpu.memory_space<hbm>>
      %dma_start3A_267 = arith.constant 0 : i32
      %dma_start3A_268 = tpu.memref_slice %arg13[%dma_start3A_267] : memref<4096xf32, #tpu.memory_space<vmem>> -> memref<4096xf32, #tpu.memory_space<vmem>>
      tpu.enqueue_dma source(%dma_start3A_268 : memref<4096xf32, #tpu.memory_space<vmem>>) target(%dma_start3A_266 : memref<4096xf32, #tpu.memory_space<hbm>>) target_semaphore(%arg21 : memref<!tpu.dma_semaphore, #tpu.memory_space<semaphore_mem>>)
      %add3A_269 = arith.constant 4 : i32
      %add3A_270 = arith.addi %add3A_232, %add3A_269 : i32
      %lt3A_271 = arith.constant 128 : i32
      %lt3A_272 = arith.cmpi slt, %add3A_270, %lt3A_271 : i32
      %convert_element_type3A_273 = arith.extui %lt3A_272 : i1 to i32
      %cond3A_274 = arith.constant 0 : i32
      %cond3A_275 = arith.cmpi ne, %convert_element_type3A_273, %cond3A_274 : i32
      scf.if %cond3A_275 {
        %add3A_276 = arith.constant 4 : i32
        %add3A_277 = arith.addi %add3A_232, %add3A_276 : i32
        %mul3A_278 = arith.constant 1 : i32
        %mul3A_279 = arith.muli %add3A_277, %mul3A_278 : i32
        %add3A_280 = arith.constant 0 : i32
        %add3A_281 = arith.addi %mul3A_279, %add3A_280 : i32
        %dma_start3A_282 = arith.constant 0 : i32
        %dma_start3A_283 = tpu.memref_slice %arg9[%dma_start3A_282] : memref<16384xf32, #tpu.memory_space<vmem>> -> memref<16384xf32, #tpu.memory_space<vmem>>
        %dma_start3A_284 = arith.constant 0 : i32
        %dma_start3A_285 = tpu.memref_slice %arg2[%add3A, %add3A_281, %dma_start3A_284] : memref<32x128x16384xf32, #tpu.memory_space<hbm>> -> memref<1x1x16384xf32, #tpu.memory_space<hbm>>
        %dma_start3A_286 = tpu.memref_squeeze %dma_start3A_285 : memref<1x1x16384xf32, #tpu.memory_space<hbm>> -> memref<16384xf32, #tpu.memory_space<hbm>>
        %dma_start3A_287 = arith.constant 0 : i32
        %dma_start3A_288 = tpu.memref_slice %arg9[%dma_start3A_287] : memref<16384xf32, #tpu.memory_space<vmem>> -> memref<16384xf32, #tpu.memory_space<vmem>>
        %dma_start3A_289 = arith.constant 0 : i32
        %dma_start3A_290 = tpu.memref_slice %arg2[%add3A, %add3A_281, %dma_start3A_289] : memref<32x128x16384xf32, #tpu.memory_space<hbm>> -> memref<1x1x16384xf32, #tpu.memory_space<hbm>>
        %dma_start3A_291 = tpu.memref_squeeze %dma_start3A_290 : memref<1x1x16384xf32, #tpu.memory_space<hbm>> -> memref<16384xf32, #tpu.memory_space<hbm>>
        tpu.enqueue_dma source(%dma_start3A_291 : memref<16384xf32, #tpu.memory_space<hbm>>) target(%dma_start3A_288 : memref<16384xf32, #tpu.memory_space<vmem>>) target_semaphore(%arg17 : memref<!tpu.dma_semaphore, #tpu.memory_space<semaphore_mem>>)
      } else {
      }
    }
    %scan3A_48 = arith.constant 32 : i32
    %dma_wait3A = arith.constant 124 : i32
    %dma_wait3A_49 = arith.constant 0 : i32
    %dma_wait3A_50 = tpu.memref_slice %arg10[%dma_wait3A_49] : memref<4096xf32, #tpu.memory_space<vmem>> -> memref<4096xf32, #tpu.memory_space<vmem>>
    %dma_wait3A_51 = arith.constant 0 : i32
    %dma_wait3A_52 = tpu.memref_slice %arg4[%add3A, %dma_wait3A, %dma_wait3A_51] : memref<32x128x4096xf32, #tpu.memory_space<hbm>> -> memref<1x1x4096xf32, #tpu.memory_space<hbm>>
    %dma_wait3A_53 = tpu.memref_squeeze %dma_wait3A_52 : memref<1x1x4096xf32, #tpu.memory_space<hbm>> -> memref<4096xf32, #tpu.memory_space<hbm>>
    %dma_wait3A_54 = arith.constant 0 : i32
    %dma_wait3A_55 = tpu.memref_slice %arg4[%add3A, %dma_wait3A, %dma_wait3A_54] : memref<32x128x4096xf32, #tpu.memory_space<hbm>> -> memref<1x1x4096xf32, #tpu.memory_space<hbm>>
    %dma_wait3A_56 = tpu.memref_squeeze %dma_wait3A_55 : memref<1x1x4096xf32, #tpu.memory_space<hbm>> -> memref<4096xf32, #tpu.memory_space<hbm>>
    %dma_wait3A_57 = arith.constant 0 : i32
    %dma_wait3A_58 = tpu.memref_slice %arg10[%dma_wait3A_57] : memref<4096xf32, #tpu.memory_space<vmem>> -> memref<4096xf32, #tpu.memory_space<vmem>>
    tpu.wait_dma2 semaphore(%arg18 : memref<!tpu.dma_semaphore, #tpu.memory_space<semaphore_mem>>) src(%dma_wait3A_58 : memref<4096xf32, #tpu.memory_space<vmem>>) dst(%dma_wait3A_56 : memref<4096xf32, #tpu.memory_space<hbm>>)
    %dma_wait3A_59 = arith.constant 125 : i32
    %dma_wait3A_60 = arith.constant 0 : i32
    %dma_wait3A_61 = tpu.memref_slice %arg11[%dma_wait3A_60] : memref<4096xf32, #tpu.memory_space<vmem>> -> memref<4096xf32, #tpu.memory_space<vmem>>
    %dma_wait3A_62 = arith.constant 0 : i32
    %dma_wait3A_63 = tpu.memref_slice %arg4[%add3A, %dma_wait3A_59, %dma_wait3A_62] : memref<32x128x4096xf32, #tpu.memory_space<hbm>> -> memref<1x1x4096xf32, #tpu.memory_space<hbm>>
    %dma_wait3A_64 = tpu.memref_squeeze %dma_wait3A_63 : memref<1x1x4096xf32, #tpu.memory_space<hbm>> -> memref<4096xf32, #tpu.memory_space<hbm>>
    %dma_wait3A_65 = arith.constant 0 : i32
    %dma_wait3A_66 = tpu.memref_slice %arg4[%add3A, %dma_wait3A_59, %dma_wait3A_65] : memref<32x128x4096xf32, #tpu.memory_space<hbm>> -> memref<1x1x4096xf32, #tpu.memory_space<hbm>>
    %dma_wait3A_67 = tpu.memref_squeeze %dma_wait3A_66 : memref<1x1x4096xf32, #tpu.memory_space<hbm>> -> memref<4096xf32, #tpu.memory_space<hbm>>
    %dma_wait3A_68 = arith.constant 0 : i32
    %dma_wait3A_69 = tpu.memref_slice %arg11[%dma_wait3A_68] : memref<4096xf32, #tpu.memory_space<vmem>> -> memref<4096xf32, #tpu.memory_space<vmem>>
    tpu.wait_dma2 semaphore(%arg19 : memref<!tpu.dma_semaphore, #tpu.memory_space<semaphore_mem>>) src(%dma_wait3A_69 : memref<4096xf32, #tpu.memory_space<vmem>>) dst(%dma_wait3A_67 : memref<4096xf32, #tpu.memory_space<hbm>>)
    %dma_wait3A_70 = arith.constant 126 : i32
    %dma_wait3A_71 = arith.constant 0 : i32
    %dma_wait3A_72 = tpu.memref_slice %arg12[%dma_wait3A_71] : memref<4096xf32, #tpu.memory_space<vmem>> -> memref<4096xf32, #tpu.memory_space<vmem>>
    %dma_wait3A_73 = arith.constant 0 : i32
    %dma_wait3A_74 = tpu.memref_slice %arg4[%add3A, %dma_wait3A_70, %dma_wait3A_73] : memref<32x128x4096xf32, #tpu.memory_space<hbm>> -> memref<1x1x4096xf32, #tpu.memory_space<hbm>>
    %dma_wait3A_75 = tpu.memref_squeeze %dma_wait3A_74 : memref<1x1x4096xf32, #tpu.memory_space<hbm>> -> memref<4096xf32, #tpu.memory_space<hbm>>
    %dma_wait3A_76 = arith.constant 0 : i32
    %dma_wait3A_77 = tpu.memref_slice %arg4[%add3A, %dma_wait3A_70, %dma_wait3A_76] : memref<32x128x4096xf32, #tpu.memory_space<hbm>> -> memref<1x1x4096xf32, #tpu.memory_space<hbm>>
    %dma_wait3A_78 = tpu.memref_squeeze %dma_wait3A_77 : memref<1x1x4096xf32, #tpu.memory_space<hbm>> -> memref<4096xf32, #tpu.memory_space<hbm>>
    %dma_wait3A_79 = arith.constant 0 : i32
    %dma_wait3A_80 = tpu.memref_slice %arg12[%dma_wait3A_79] : memref<4096xf32, #tpu.memory_space<vmem>> -> memref<4096xf32, #tpu.memory_space<vmem>>
    tpu.wait_dma2 semaphore(%arg20 : memref<!tpu.dma_semaphore, #tpu.memory_space<semaphore_mem>>) src(%dma_wait3A_80 : memref<4096xf32, #tpu.memory_space<vmem>>) dst(%dma_wait3A_78 : memref<4096xf32, #tpu.memory_space<hbm>>)
    %dma_wait3A_81 = arith.constant 127 : i32
    %dma_wait3A_82 = arith.constant 0 : i32
    %dma_wait3A_83 = tpu.memref_slice %arg13[%dma_wait3A_82] : memref<4096xf32, #tpu.memory_space<vmem>> -> memref<4096xf32, #tpu.memory_space<vmem>>
    %dma_wait3A_84 = arith.constant 0 : i32
    %dma_wait3A_85 = tpu.memref_slice %arg4[%add3A, %dma_wait3A_81, %dma_wait3A_84] : memref<32x128x4096xf32, #tpu.memory_space<hbm>> -> memref<1x1x4096xf32, #tpu.memory_space<hbm>>
    %dma_wait3A_86 = tpu.memref_squeeze %dma_wait3A_85 : memref<1x1x4096xf32, #tpu.memory_space<hbm>> -> memref<4096xf32, #tpu.memory_space<hbm>>
    %dma_wait3A_87 = arith.constant 0 : i32
    %dma_wait3A_88 = tpu.memref_slice %arg4[%add3A, %dma_wait3A_81, %dma_wait3A_87] : memref<32x128x4096xf32, #tpu.memory_space<hbm>> -> memref<1x1x4096xf32, #tpu.memory_space<hbm>>
    %dma_wait3A_89 = tpu.memref_squeeze %dma_wait3A_88 : memref<1x1x4096xf32, #tpu.memory_space<hbm>> -> memref<4096xf32, #tpu.memory_space<hbm>>
    %dma_wait3A_90 = arith.constant 0 : i32
    %dma_wait3A_91 = tpu.memref_slice %arg13[%dma_wait3A_90] : memref<4096xf32, #tpu.memory_space<vmem>> -> memref<4096xf32, #tpu.memory_space<vmem>>
    tpu.wait_dma2 semaphore(%arg21 : memref<!tpu.dma_semaphore, #tpu.memory_space<semaphore_mem>>) src(%dma_wait3A_91 : memref<4096xf32, #tpu.memory_space<vmem>>) dst(%dma_wait3A_89 : memref<4096xf32, #tpu.memory_space<hbm>>)
    return
  }
}

</mosaic_0001>

<sc_bundles>
// kernel: kernel.3.cloned.1.call-start
scs
__scs_entry_jumppad:
0x0: {  	(pc) =	sbr.rel $0x88, $3  }
0x1: {  	(tag) =	ssettag $0x0;
	lr =	simm.s32 $0x1  }
0x2: {  	[smem:$0x3F9F] =	sst lr;
	_ =	strace $0xD0000000  }
0x3: {  	_ = 	snop  }
0x4: {  	_ = 	snop  }
0x5: {  	_ = 	snop  }
0x6: {  	_ = 	snop  }
0x7: {  	_ = 	snop  }
__scs_overlays_trampoline_lowered:
0x8: {  	[smem:$0x3FAE] =	sst s0  }
0x9: {  	[smem:$0x3FAF] =	sst s1  }
0xa: {  	[smem:$0x3FB0] =	sst s2  }
0xb: {  	[smem:$0x3FB1] =	sst s3  }
0xc: {  	[smem:$0x3FB2] =	sst s4  }
0xd: {  	[smem:$0x3FB3] =	sst s5  }
0xe: {  	[smem:$0x3FB4] =	sst s6  }
0xf: {  	[smem:$0x3FB5] =	sst s7  }
0x10: {  	[smem:$0x3FB6] =	sst s8  }
0x11: {  	[smem:$0x3FB7] =	sst s9;
	s0 =	simm.s32 @!p0 $0x0  }
0x12: {  	s1 =	sld [smem:$0x3F9D];
	s0 =	simm.s32 @p0 $0x1  }
0x13: {  	[smem:$0x3FB8] =	sst s0;
	s0 =	simm.s32 @!p1 $0x0  }
0x14: {  	s2 =	sld [smem:$0x3F9C];
	s0 =	simm.s32 @p1 $0x1  }
0x15: {  	[smem:$0x3FB9] =	sst s0;
	s0 =	simm.s32 @!p2 $0x0  }
0x16: {  	s3 =	sld [smem:$0x3FDB];
	s0 =	simm.s32 @p2 $0x1  }
0x17: {  	s4 =	simm.s32 $0x1BF5;
	[smem:$0x3FBB] =	sst s0  }
0x18: {  	s0 =	sld [smem:$0x3F9E];
	_ =	swait.ge [sflag:s4], $0x0  }
0x19: {  	s7 =	sld [smem:$0x3F9F]  }
0x1a: {  	s8 =	sadd.s32 $0xFFFFE003, lr  }
0x1b: {  	s9 =	sadd.s32 $0xFFFFFEF7, lr;
	s5 =	simm.s32 $0xFFFFFFFF;
	p2 =	slt.u32 s8, $0xFFFFF086  }
0x1c: {  	p1 =	slt.u32 s9, $0xF7A;
	s5 =	simm.s32 @!p2 $0x0  }
0x1d: {  	s5 =	simm.s32 @p1 $0x1;
	p0 =	seq.s32 s7, s2  }
0x1e: {  	s7 =	smul.u32 @!p0 $0xF7A, s2;
	p2 =	seq.s32 @!p0 s5, $0x0  }
0x1f: {  	s9 =	smul.u32 $0xF7A, s1;
	s8 =	simm.s32 @!p0 $0x1BF5;
	p2 =	por !p2, p0  }
0x20: {  	[sflag:s8] =	ssyncset.s32 @!p0 $0xFFFFF086;
	s6 =	sadd.s32 @!p0 s3, s7;
	s7 =	simm.s32 @!p0 $0x108  }
0x21: {  	s3 =	sadd.s32 s3, s9;
	s6 =	sadd.s32 @!p0 $0x88, s6;
	s7 =	simm.s32 @p2 $0x1082  }
0x22: {  	[simem:s7], [sflag:s8] =	dma.local @!p0 [hbm:s6], $0xF7A  }
0x23: {  	s9 =	sor.u32 $0xD0000000, s2;
	s6 =	simm.s32 $0x108;
	_ =	swait.ge @!p0 [sflag:s8], $0x0  }
0x24: {  	s3 =	sadd.s32 $0x88, s3;
	s6 =	simm.s32 @!p1 $0x1082;
	[sflag:s4] =	ssyncset.s32 $0xFFFFF086  }
0x25: {  	[simem:s6], [sflag:s4] =	dma.local [hbm:s3], $0xF7A  }
0x26: {  	[smem:$0x3F9F] =	sst s1;
	(tag) =	ssettag s2;
	_ =	strace s9  }
0x27: {  	s1 =	sld [smem:$0x3FAF]  }
0x28: {  	s2 =	sld [smem:$0x3FB0]  }
0x29: {  	s4 =	sld [smem:$0x3FB2]  }
0x2a: {  	p0 =	seq.s32 s5, $0x0;
	s5 =	sld [smem:$0x3FB3]  }
0x2b: {  	s6 =	sld [smem:$0x3FB4]  }
0x2c: {  	s7 =	sld [smem:$0x3FB5]  }
0x2d: {  	s3 =	simm.s32 $0x108;
	s8 =	sld [smem:$0x3FB6]  }
0x2e: {  	s3 =	simm.s32 @!p0 $0x1082;
	s9 =	sld [smem:$0x3FB7]  }
0x2f: {  	lr =	sadd.s32 s0, s3;
	s0 =	sld [smem:$0x3FAE]  }
0x30: {  	s3 =	sld [smem:$0x3FB1]  }
0x31: {  	[smem:$0x3FBA] =	sst s10  }
0x32: {  	s10 =	sld [smem:$0x3FB8];
	_ =	sdelay $0x3  }
0x33: {  	p0 =	seq.s32 s10, $0x1;
	s10 =	sld [smem:$0x3FBA];
	_ =	sdelay $0x3  }
0x34: {  	[smem:$0x3FBA] =	sst s10  }
0x35: {  	s10 =	sld [smem:$0x3FB9];
	_ =	sdelay $0x3  }
0x36: {  	p1 =	seq.s32 s10, $0x1;
	s10 =	sld [smem:$0x3FBA];
	_ =	sdelay $0x3  }
0x37: {  	[smem:$0x3FBA] =	sst s10  }
0x38: {  	s10 =	sld [smem:$0x3FBB]  }
0x39: {  	_ = 	snop;
	(pc) =	sbr.ind lr, $3  }
0x3a: {  	_ = 	snop  }
0x3b: {  	_ = 	snop  }
0x3c: {  	p2 =	seq.s32 s10, $0x1;
	s10 =	sld [smem:$0x3FBA]  }
0x3d: {  	_ =	shalt  }
0x3e: {  	_ =	shalt  }
0x3f: {  	_ =	shalt  }
0x40: {  	_ =	shalt  }
0x41: {  	_ =	shalt  }
0x42: {  	_ =	shalt  }
0x43: {  	_ =	shalt  }
0x44: {  	_ =	shalt  }
0x45: {  	_ =	shalt  }
0x46: {  	_ =	shalt  }
0x47: {  	_ =	shalt  }
0x48: {  	_ =	shalt  }
0x49: {  	_ =	shalt  }
0x4a: {  	_ =	shalt  }
0x4b: {  	_ =	shalt  }
0x4c: {  	_ =	shalt  }
0x4d: {  	_ =	shalt  }
0x4e: {  	_ =	shalt  }
0x4f: {  	_ =	shalt  }
0x50: {  	_ =	shalt  }
0x51: {  	_ =	shalt  }
0x52: {  	_ =	shalt  }
0x53: {  	_ =	shalt  }
0x54: {  	_ =	shalt  }
0x55: {  	_ =	shalt  }
0x56: {  	_ =	shalt  }
0x57: {  	_ =	shalt  }
0x58: {  	_ =	shalt  }
0x59: {  	_ =	shalt  }
0x5a: {  	_ =	shalt  }
0x5b: {  	_ =	shalt  }
0x5c: {  	_ =	shalt  }
0x5d: {  	_ =	shalt  }
0x5e: {  	_ =	shalt  }
0x5f: {  	_ =	shalt  }
0x60: {  	_ =	shalt  }
0x61: {  	_ =	shalt  }
0x62: {  	_ =	shalt  }
0x63: {  	_ =	shalt  }
0x64: {  	_ =	shalt  }
0x65: {  	_ =	shalt  }
0x66: {  	_ =	shalt  }
0x67: {  	_ =	shalt  }
0x68: {  	_ =	shalt  }
0x69: {  	_ =	shalt  }
0x6a: {  	_ =	shalt  }
0x6b: {  	_ =	shalt  }
0x6c: {  	_ =	shalt  }
0x6d: {  	_ =	shalt  }
0x6e: {  	_ =	shalt  }
0x6f: {  	_ =	shalt  }
0x70: {  	_ =	shalt  }
0x71: {  	_ =	shalt  }
0x72: {  	_ =	shalt  }
0x73: {  	_ =	shalt  }
0x74: {  	_ =	shalt  }
0x75: {  	_ =	shalt  }
0x76: {  	_ =	shalt  }
0x77: {  	_ =	shalt  }
0x78: {  	_ =	shalt  }
0x79: {  	_ =	shalt  }
0x7a: {  	_ =	shalt  }
0x7b: {  	_ =	shalt  }
0x7c: {  	_ =	shalt  }
0x7d: {  	_ =	shalt  }
0x7e: {  	_ =	shalt  }
0x7f: {  	_ =	shalt  }
0x80: {  	_ =	shalt  }
0x81: {  	_ =	shalt  }
0x82: {  	_ =	shalt  }
0x83: {  	_ =	shalt  }
0x84: {  	_ =	shalt  }
0x85: {  	_ =	shalt  }
0x86: {  	_ =	shalt  }
0x87: {  	_ =	shalt  }
.Lfunc_end0:
.L_simem_size_0:
called_computation_lowered:
.L_overlay_start_0:
0x88: {  	s2 =	sld [smem:$0x3FD9]  }
0x89: {  	s3 =	sld [smem:$0x3FFE];
	_ =	sdelay $0x1  }
0x8a: {  	s1 =	srdreg.scid  }
0x8b: {  	s0 =	sand.u32 $0x1, s1  }
0x8c: {  	s18 =	sshll.u32 s0, $0xA;
	s2 =	sadd.s32 s3, s2  }
0x8d: {  	s2 =	sadd.s32 s2, s18  }
0x8e: {  	[smem:$0x3FC6] =	sst s2  }
0x8f: {  	_ = 	snop  }
0x90: {  	s2 =	sld [smem:$0x3FC9]  }
0x91: {  	s19 =	sld [smem:$0x3FC8]  }
0x92: {  	s4 =	sld [smem:$0x3FD0];
	(tm) =	ssettm $0x1  }
0x93: {  	s5 =	sld [smem:$0x3FFB];
	_ =	sdelay $0x3  }
0x94: {  	_ =	strace s5  }
0x95: {  	s5 =	sld [smem:$0x3FFC];
	_ =	sdelay $0x3  }
0x96: {  	_ =	strace s5  }
0x97: {  	s5 =	sld [smem:$0x3FFD];
	_ =	sdelay $0x3  }
0x98: {  	_ =	strace s5  }
0x99: {  	_ =	strace $0x8FFFFFFF  }
0x9a: {  	s20 =	sld [smem:$0x3FDB];
	_ =	sdelay $0x1  }
0x9b: {  	s6 =	simm.s32 $_scs_section_size  }
0x9c: {  	s7 =	simm.s32 $_size__tile_overlayer_lowered;
	s8 =	simm.s32 $_tile_overlayer_lowered  }
0x9d: {  	s23 =	simm.s32 $0x1BFF;
	s22 =	sshll.u32 s8, $0x1;
	s5 =	sadd.s32 s6, s20  }
0x9e: {  	s9 =	simm.s32 $0x0;
	s21 =	sshll.u32 s7, $0x1;
	s7 =	sadd.s32 s22, s5  }
0x9f: {  	[timem:s9], [sflag:s23] =	dma.local [hbm:s7], s21  }
0xa0: {  	_ =	swait.ge [sflag:s23], s21  }
0xa1: {  	s6 =	ssub.s32 $0x0, s21;
	[sflag:s23] =	ssyncset.done $0x0  }
0xa2: {  	[sflag:s23] =	ssyncadd.s32 s6;
	_ =	sdelay $0x1  }
0xa3: {  	s24 =	simm.s32 $0x1B8B  }
0xa4: {  	_ =	swait.ge [sflag:s24], $0x1  }
0xa5: {  	[sflag:s24] =	ssyncset.done $0x0  }
0xa6: {  	s25 =	simm.s32 $0x1B8E;
	[sflag:s24] =	ssyncadd.s32 $0xFFFFFFFF  }
0xa7: {  	s26 =	simm.s32 $execute0_lowered;
	[smem:$0x3FD2] =	sst s25  }
0xa8: {  	s6 =	sshll.u32 s26, $0x1;
	_ =	strace $0x80000046;
	[dreg:$0x1] =	wrdreg $0xFFFFFFFF  }
0xa9: {  	s28 =	simm.s32 $_size_execute0_lowered;
	s5 =	sadd.s32 s5, s6;
	[dreg:$0x0] =	wrdreg $0x0  }
0xaa: {  	s6 =	sshll.u32 s28, $0x1;
	[dreg:$0x2] =	wrdreg s5  }
0xab: {  	[dreg:$0x3] =	wrdreg s6  }
0xac: {  	[dreg:$0x4] =	wrdreg $0xC0  }
0xad: {  	_ =	task [dreg:s9], $0x5FFFF  }
0xae: {  	[dreg:$0x1] =	wrdreg $0xFFFFFFFF  }
0xaf: {  	[dreg:$0x0] =	wrdreg $0x60  }
0xb0: {  	[dreg:$0x2] =	wrdreg s2  }
0xb1: {  	[dreg:$0x3] =	wrdreg s19  }
0xb2: {  	[dreg:$0x4] =	wrdreg s4  }
0xb3: {  	[dreg:$0x5] =	wrdreg $0x9  }
0xb4: {  	_ =	task.clear_ibuf [dreg:s9], $0x6FFFF;
	_ =	strace $0x90000046  }
0xb5: {  	s29 =	simm.s32 $0x9;
	_ =	strace $0x80000048  }
0xb6: {  	_ =	swait.ge [sflag:s29], $0x1  }
0xb7: {  	[sflag:s29] =	ssyncadd.s32 $0xFFFFFFFF  }
0xb8: {  	_ =	strace $0x90000048  }
0xb9: {  	_ =	sfence  }
0xba: {  	s30 =	sld [smem:$0x0];
	_ =	sdelay $0x2  }
0xbb: {  	s31 =	sshll.u32 s1, $0xD;
	s1 =	sshrl.u32 s1, $0x2  }
0xbc: {  	s3 =	sand.u32 $0x4000, s31;
	s1 =	sadd.s32 s1, s30  }
0xbd: {  	s0 =	sor.u32 s3, s0;
	s1 =	sshll.u32 s1, $0x11  }
0xbe: {  	s0 =	sor.u32 s1, s0  }
0xbf: {  	s0 =	sadd.s32 $0x8F2B, s0  }
0xc0: {  	[sflag:s0] =	ssyncadd.remote.s32 $0x1  }
0xc1: {  	_ =	sfence.sel $0xFFFF  }
0xc2: {  	[dreg:$0x0] =	wrdreg $0xFFFFFFFF;
	(pc) =	sbr.abs _section_cstart, $3  }
0xc3: {  	[dreg:$0x1] =	wrdreg $0xFFFFFFFF  }
0xc4: {  	_ =	task.clear_ibuf [dreg:s9], $0x2FFFF;
	_ =	strace $0x9FFFFFFF  }
0xc5: {  	(tm) =	ssettm $0x7FFFFFFF  }
tec
execute0_lowered:
.L_overlay_start_1:
0x0: {  	(tag) =	ssettag $0x1  }
0x1: {  	s1 =	rddreg [dreg:$0x0]  }
0x2: {  	s0 =	rddreg [dreg:$0x1]  }
0x3: {  	s2 =	rddreg [dreg:$0x2]  }
0x4: {  	s3 =	srdreg.scid;
	s4 =	simm.s32 $0x0;
	s7 =	stileid.u32  }
0x5: {  	s13 =	simm.s32 $0x80;
	s14 =	simm.s32 $0x400;
	s15 =	simm.s32 $0x9  }
0x6: {  	s16 =	simm.s32 $0x1000;
	s17 =	simm.s32 $0x5000;
	s18 =	simm.s32 $0x9000  }
0x7: {  	s19 =	simm.s32 $0xD000;
	s28 =	simm.s32 $0x13000;
	s29 =	simm.s32 $0x4  }
0x8: {  	s30 =	simm.s32 $0x8;
	s31 =	simm.s32 $0x14000;
	s3 =	sand.u32 $0x1, s3  }
0x9: {  	[smem:$0x7FF] =	sst s4;
	s6 =	sshll.u32 s7, $0x1;
	s21 =	sshll.u32 s7, $0xA  }
0xa: {  	s20 =	ssub.s32 $0x2, s3;
	_ =	strace $0x80000047;
	s3 =	sor.u32 s3, s6  }
0xb: {  	s5 =	sshrl.u32 s20, $0x1;
	s6 =	sshll.u32 s3, $0x4;
	s22 =	sshll.u32 s3, $0x12  }
0xc: {  	s7 =	sshll.u32 s3, $0x15;
	s11 =	sshll.u32 s3, $0x13;
	s3 =	simm.s32 $0x0  }
0xd: {  	s4 =	ssub.s32 s20, s5;
	s5 =	sand.u32 $0x3000, s21;
	s6 =	sand.u32 $0x70, s6  }
0xe: {  	s20 =	simm.s32 $0x1;
	s0 =	sadd.s32 s0, s5;
	s26 =	smax.u32 s4, $0x1  }
0xf: {  	s5 =	sadd.s32 s1, s22;
	s0 =	sadd.s32 s6, s0;
	[dreg:$0x8] =	wrdreg s26  }
.Ltmp0:
0x10: {  	s23 =	sadd.s32 $0x10, s5;
	[dreg:$0x4] =	wrdreg s0;
	(pc) =	sbr.rel .LBB2_1-.Ltmp0, $4  }
0x11: {  	s21 =	simm.s32 $0x11000;
	s24 =	sadd.s32 $0x20, s5;
	[dreg:$0x5] =	wrdreg s23  }
0x12: {  	s22 =	simm.s32 $0x2;
	s25 =	sadd.s32 $0x30, s5;
	[dreg:$0x6] =	wrdreg s24  }
0x13: {  	s26 =	simm.s32 $0x7;
	[dreg:$0x7] =	wrdreg s25;
	s23 =	simm.s32 $0x6  }
0x14: {  	s24 =	simm.s32 $0x12000;
	s25 =	simm.s32 $0x3;
	s0 =	simm.s32 $0x5  }
.LBB2_24:
0x15: {  	_ =	swait.ge [sflag:s0], $0x1000  }
0x16: {  	[sflag:s0] =	ssyncset.done $0x0  }
0x17: {  	[sflag:s0] =	ssyncadd.s32 $0xFFFFF000  }
0x18: {  	_ =	swait.ge [sflag:s23], $0x1000  }
0x19: {  	[sflag:s23] =	ssyncset.done $0x0  }
0x1a: {  	[sflag:s23] =	ssyncadd.s32 $0xFFFFF000  }
0x1b: {  	_ =	swait.ge [sflag:s26], $0x1000  }
0x1c: {  	[sflag:s26] =	ssyncset.done $0x0  }
0x1d: {  	[sflag:s26] =	ssyncadd.s32 $0xFFFFF000  }
0x1e: {  	_ =	swait.ge [sflag:s30], $0x1000  }
0x1f: {  	s3 =	sadd.s32 $0x1, s3;
	s4 =	rddreg [dreg:$0x8]  }
0x20: {  	p0 =	sne.s32 s3, s4  }
.Ltmp1:
0x21: {  	_ = 	snop;
	(pc) =	sbr.rel @!p0 .LBB2_25-.Ltmp1, $3  }
0x22: {  	_ =	sdelay $0x1  }
0x23: {  	[sflag:s30] =	ssyncset.done $0x0  }
0x24: {  	[sflag:s30] =	ssyncadd.s32 $0xFFFFF000  }
.LBB2_1:
0x25: {  	s4 =	simm.s32 $0x0;
	s6 =	rddreg [dreg:$0x4]  }
0x26: {  	[tilespmem:s4], [sflag:$0x9] =	stream.strided.gather [hbm4b:s6+s13], $0x1000, s14, s13, $0x38;
	[tilespmem:$0x15000] =	vst v63  }
0x27: {  	_ =	swait.ge [sflag:s15], $0x1000  }
0x28: {  	[sflag:s15] =	ssyncset.done $0x0  }
0x29: {  	[sflag:s15] =	ssyncadd.s32 $0xFFFFF000  }
0x2a: {  	[tilespmem:s16], [sflag:$0x1] =	stream.strided.gather [hbm4b:s5+s13], $0x4000, s14, s13, $0x38;
	[tilespmem:$0x15000] =	vst v63  }
0x2b: {  	s9 =	rddreg [dreg:$0x5]  }
0x2c: {  	[tilespmem:s17], [sflag:$0x2] =	stream.strided.gather [hbm4b:s9+s13], $0x4000, s14, s13, $0x38;
	[tilespmem:$0x15000] =	vst v63  }
0x2d: {  	s10 =	rddreg [dreg:$0x6]  }
0x2e: {  	[tilespmem:s18], [sflag:$0x3] =	stream.strided.gather [hbm4b:s10+s13], $0x4000, s14, s13, $0x38;
	[tilespmem:$0x15000] =	vst v63  }
0x2f: {  	s4 =	simm.s32 $0x0;
	s12 =	rddreg [dreg:$0x7]  }
0x30: {  	[tilespmem:s19], [sflag:$0x4] =	stream.strided.gather [hbm4b:s12+s13], $0x4000, s14, s13, $0x38;
	[tilespmem:$0x15000] =	vst v63  }
.LBB2_2:
0x31: {  	_ =	swait.ge [sflag:s20], $0x4000  }
0x32: {  	p0 =	seq.s32 s4, $0x0;
	[sflag:s20] =	ssyncset.done $0x0  }
0x33: {  	s6 =	simm.s32 @!p0 $0x5;
	[sflag:s20] =	ssyncadd.s32 $0xFFFFC000  }
0x34: {  	_ =	swait.ge @!p0 [sflag:s6], $0x1000  }
0x35: {  	[sflag:s6] =	ssyncset.done @!p0 $0x0  }
0x36: {  	s12 =	simm.s32 $0x40;
	[sflag:s6] =	ssyncadd.s32 @!p0 $0xFFFFF000  }
0x37: {  	v0 =	vld [tilespmem:s12+$0x30]  }
0x38: {  	v1 =	vld [tilespmem:s12+$0xFFFFFFD0]  }
0x39: {  	v2 =	vld [tilespmem:s12+$0xFFFFFFE0]  }
0x3a: {  	v3 =	vld [tilespmem:s12+$0xFFFFFFF0]  }
0x3b: {  	v6 =	vld [tilespmem:s12+$0x0]  }
0x3c: {  	v7 =	vld [tilespmem:s12+$0x10]  }
0x3d: {  	v8 =	vld [tilespmem:s12+$0x20]  }
0x3e: {  	v9 =	vld [tilespmem:s12+$0xFFFFFFC0]  }
0x3f: {  	v10 =	vld.idx.msk [tilespmem:v0+s16+$0x0], $0xffff  }
0x40: {  	v11 =	vld.idx.msk [tilespmem:v1+s16+$0x0], $0xffff  }
0x41: {  	v5 =	vld.idx.msk [tilespmem:v2+s16+$0x0], $0xffff  }
0x42: {  	v4 =	vld.idx.msk [tilespmem:v3+s16+$0x0], $0xffff  }
0x43: {  	v2 =	vld.idx.msk [tilespmem:v6+s16+$0x0], $0xffff  }
0x44: {  	s9 =	simm.s32 $0x11040;
	v0 =	vld.idx.msk [tilespmem:v7+s16+$0x0], $0xffff  }
0x45: {  	s8 =	sshll.u32 s4, $0x9;
	s10 =	simm.s32 $0x0;
	v1 =	vld.idx.msk [tilespmem:v8+s16+$0x0], $0xffff;
	[tilespmem:s9+$0x30] =	vst v10  }
0x46: {  	s8 =	sand.u32 $0x200, s8;
	s6 =	sshll.u32 s4, $0x2;
	s12 =	simm.s32 $0xC0;
	v3 =	vld.idx.msk [tilespmem:v9+s16+$0x0], $0xffff;
	[tilespmem:s9+$0xFFFFFFD0] =	vst v11  }
.LBB2_3:
0x47: {  	v6 =	vld [tilespmem:s12+$0x30];
	s10 =	sadd.s32 $0x80, s10;
	[tilespmem:s9+$0xFFFFFFE0] =	vst v5  }
0x48: {  	v5 =	vld [tilespmem:s12+$0xFFFFFFD0];
	p1 =	slt.u32 s10, $0xF80;
	[tilespmem:s9+$0xFFFFFFF0] =	vst v4  }
0x49: {  	v4 =	vld [tilespmem:s12+$0xFFFFFFE0];
	[tilespmem:s9+$0x0] =	vst v2  }
0x4a: {  	v2 =	vld [tilespmem:s12+$0xFFFFFFF0];
	[tilespmem:s9+$0x10] =	vst v0  }
0x4b: {  	v0 =	vld [tilespmem:s12+$0x0];
	[tilespmem:s9+$0x20] =	vst v1  }
0x4c: {  	v1 =	vld [tilespmem:s12+$0x10];
	[tilespmem:s9+$0xFFFFFFC0] =	vst v3  }
0x4d: {  	v3 =	vld [tilespmem:s12+$0x20]  }
0x4e: {  	v7 =	vld [tilespmem:s12+$0xFFFFFFC0]  }
0x4f: {  	v6 =	vld.idx.msk [tilespmem:v6+s16+$0x0], $0xffff  }
0x50: {  	v8 =	vld.idx.msk [tilespmem:v5+s16+$0x0], $0xffff  }
0x51: {  	v5 =	vld.idx.msk [tilespmem:v4+s16+$0x0], $0xffff  }
.Ltmp2:
0x52: {  	v4 =	vld.idx.msk [tilespmem:v2+s16+$0x0], $0xffff;
	(pc) =	sbr.rel @p1 .LBB2_3-.Ltmp2, $4  }
0x53: {  	v2 =	vld.idx.msk [tilespmem:v0+s16+$0x0], $0xffff  }
0x54: {  	s9 =	sadd.s32 $0x80, s9;
	v0 =	vld.idx.msk [tilespmem:v1+s16+$0x0], $0xffff  }
0x55: {  	v1 =	vld.idx.msk [tilespmem:v3+s16+$0x0], $0xffff;
	[tilespmem:s9+$0x30] =	vst v6  }
0x56: {  	s12 =	sadd.s32 $0x80, s12;
	v3 =	vld.idx.msk [tilespmem:v7+s16+$0x0], $0xffff;
	[tilespmem:s9+$0xFFFFFFD0] =	vst v8  }
0x57: {  	[tilespmem:s9+$0xFFFFFFE0] =	vst v5  }
0x58: {  	[tilespmem:s9+$0xFFFFFFF0] =	vst v4;
	s10 =	sshll.u32 s4, $0xE;
	p1 =	sne.s32 s4, $0x1F  }
.Ltmp3:
0x59: {  	s8 =	sor.u32 s11, s8;
	[tilespmem:s9+$0x0] =	vst v2;
	s10 =	sand.u32 $0x78000, s10;
	(pc) =	sbr.rel @p1 .LBB2_6-.Ltmp3, $4  }
0x5a: {  	[tilespmem:s9+$0x10] =	vst v0;
	s8 =	sor.u32 s10, s8  }
0x5b: {  	[tilespmem:s9+$0x20] =	vst v1;
	s8 =	sshrl.u32 s8, $0x3  }
0x5c: {  	[tilespmem:s9+$0xFFFFFFC0] =	vst v3;
	s12 =	sadd.s32 s2, s8  }
0x5d: {  	[hbm4b:s12+s13] =	stream.strided.scatter [tilespmem:s21], [sflag:$0x5], $0x1000, s14, s13, $0x38;
	[tilespmem:$0x15000] =	vst v63  }
.Ltmp4:
0x5e: {  	(pc) =	sbr.rel .LBB2_7-.Ltmp4, $4  }
0x5f: {  	_ = 	snop  }
0x60: {  	_ =	swait.ge [sflag:s22], $0x4000  }
0x61: {  	[sflag:s22] =	ssyncset.done $0x0  }
0x62: {  	[sflag:s22] =	ssyncadd.s32 $0xFFFFC000  }
.LBB2_6:
0x63: {  	s9 =	sadd.s32 $0x4, s6  }
0x64: {  	s10 =	sshll.u32 s9, $0xE  }
0x65: {  	s9 =	sshll.u32 s9, $0x7;
	s10 =	sand.u32 $0x3E0000, s10  }
0x66: {  	s9 =	sand.u32 $0x200, s9;
	s10 =	sadd.s32 s7, s10  }
0x67: {  	s9 =	sor.u32 s9, s10  }
0x68: {  	s9 =	sshrl.u32 s9, $0x3  }
.Ltmp5:
0x69: {  	s9 =	sadd.s32 s1, s9;
	(pc) =	sbr.rel @p0 .LBB2_8-.Ltmp5, $4  }
0x6a: {  	[tilespmem:s16], [sflag:$0x1] =	stream.strided.gather [hbm4b:s9+s13], $0x4000, s14, s13, $0x38;
	[tilespmem:$0x15000] =	vst v63  }
0x6b: {  	_ =	swait.ge [sflag:s22], $0x4000  }
0x6c: {  	[sflag:s22] =	ssyncset.done $0x0  }
0x6d: {  	[sflag:s22] =	ssyncadd.s32 $0xFFFFC000  }
.LBB2_7:
0x6e: {  	_ =	swait.ge [sflag:s23], $0x1000  }
0x6f: {  	[sflag:s23] =	ssyncset.done $0x0  }
0x70: {  	[sflag:s23] =	ssyncadd.s32 $0xFFFFF000  }
.LBB2_8:
0x71: {  	s9 =	simm.s32 $0x40  }
0x72: {  	v0 =	vld [tilespmem:s9+$0x30]  }
0x73: {  	v1 =	vld [tilespmem:s9+$0xFFFFFFD0]  }
0x74: {  	v2 =	vld [tilespmem:s9+$0xFFFFFFE0]  }
0x75: {  	v3 =	vld [tilespmem:s9+$0xFFFFFFF0]  }
0x76: {  	v4 =	vld [tilespmem:s9+$0x0]  }
0x77: {  	v6 =	vld [tilespmem:s9+$0x10]  }
0x78: {  	v7 =	vld [tilespmem:s9+$0x20]  }
0x79: {  	v8 =	vld [tilespmem:s9+$0xFFFFFFC0]  }
0x7a: {  	v9 =	vld.idx.msk [tilespmem:v0+s17+$0x0], $0xffff  }
0x7b: {  	v10 =	vld.idx.msk [tilespmem:v1+s17+$0x0], $0xffff  }
0x7c: {  	v5 =	vld.idx.msk [tilespmem:v2+s17+$0x0], $0xffff  }
0x7d: {  	v3 =	vld.idx.msk [tilespmem:v3+s17+$0x0], $0xffff  }
0x7e: {  	v0 =	vld.idx.msk [tilespmem:v4+s17+$0x0], $0xffff  }
0x7f: {  	s9 =	simm.s32 $0x12040;
	v1 =	vld.idx.msk [tilespmem:v6+s17+$0x0], $0xffff  }
0x80: {  	v2 =	vld.idx.msk [tilespmem:v7+s17+$0x0], $0xffff;
	[tilespmem:s9+$0x30] =	vst v9  }
0x81: {  	s10 =	simm.s32 $0x0;
	s12 =	simm.s32 $0xC0;
	v4 =	vld.idx.msk [tilespmem:v8+s17+$0x0], $0xffff;
	[tilespmem:s9+$0xFFFFFFD0] =	vst v10  }
.LBB2_9:
0x82: {  	v6 =	vld [tilespmem:s12+$0x30];
	s10 =	sadd.s32 $0x80, s10;
	[tilespmem:s9+$0xFFFFFFE0] =	vst v5  }
0x83: {  	v5 =	vld [tilespmem:s12+$0xFFFFFFD0];
	p2 =	slt.u32 s10, $0xF80;
	[tilespmem:s9+$0xFFFFFFF0] =	vst v3  }
0x84: {  	v3 =	vld [tilespmem:s12+$0xFFFFFFE0];
	[tilespmem:s9+$0x0] =	vst v0  }
0x85: {  	v0 =	vld [tilespmem:s12+$0xFFFFFFF0];
	[tilespmem:s9+$0x10] =	vst v1  }
0x86: {  	v1 =	vld [tilespmem:s12+$0x0];
	[tilespmem:s9+$0x20] =	vst v2  }
0x87: {  	v2 =	vld [tilespmem:s12+$0x10];
	[tilespmem:s9+$0xFFFFFFC0] =	vst v4  }
0x88: {  	v4 =	vld [tilespmem:s12+$0x20]  }
0x89: {  	v7 =	vld [tilespmem:s12+$0xFFFFFFC0]  }
0x8a: {  	v6 =	vld.idx.msk [tilespmem:v6+s17+$0x0], $0xffff  }
0x8b: {  	v8 =	vld.idx.msk [tilespmem:v5+s17+$0x0], $0xffff  }
0x8c: {  	v5 =	vld.idx.msk [tilespmem:v3+s17+$0x0], $0xffff  }
.Ltmp6:
0x8d: {  	v3 =	vld.idx.msk [tilespmem:v0+s17+$0x0], $0xffff;
	(pc) =	sbr.rel @p2 .LBB2_9-.Ltmp6, $4  }
0x8e: {  	v0 =	vld.idx.msk [tilespmem:v1+s17+$0x0], $0xffff  }
0x8f: {  	s9 =	sadd.s32 $0x80, s9;
	v1 =	vld.idx.msk [tilespmem:v2+s17+$0x0], $0xffff  }
0x90: {  	v2 =	vld.idx.msk [tilespmem:v4+s17+$0x0], $0xffff;
	[tilespmem:s9+$0x30] =	vst v6  }
0x91: {  	s12 =	sadd.s32 $0x80, s12;
	v4 =	vld.idx.msk [tilespmem:v7+s17+$0x0], $0xffff;
	[tilespmem:s9+$0xFFFFFFD0] =	vst v8  }
0x92: {  	[tilespmem:s9+$0xFFFFFFE0] =	vst v5  }
0x93: {  	[tilespmem:s9+$0xFFFFFFF0] =	vst v3  }
.Ltmp7:
0x94: {  	[tilespmem:s9+$0x0] =	vst v0;
	(pc) =	sbr.rel @p1 .LBB2_12-.Ltmp7, $4  }
0x95: {  	[tilespmem:s9+$0x10] =	vst v1  }
0x96: {  	s8 =	sadd.s32 s8, s2;
	[tilespmem:s9+$0x20] =	vst v2  }
0x97: {  	s12 =	sadd.s32 $0x10, s8;
	[tilespmem:s9+$0xFFFFFFC0] =	vst v4  }
0x98: {  	[hbm4b:s12+s13] =	stream.strided.scatter [tilespmem:s24], [sflag:$0x6], $0x1000, s14, s13, $0x38;
	[tilespmem:$0x15000] =	vst v63  }
.Ltmp8:
0x99: {  	(pc) =	sbr.rel .LBB2_13-.Ltmp8, $4  }
0x9a: {  	_ = 	snop  }
0x9b: {  	_ =	swait.ge [sflag:s25], $0x4000  }
0x9c: {  	[sflag:s25] =	ssyncset.done $0x0  }
0x9d: {  	[sflag:s25] =	ssyncadd.s32 $0xFFFFC000  }
.LBB2_12:
0x9e: {  	s9 =	sadd.s32 $0x5, s6  }
0x9f: {  	s10 =	sshll.u32 s9, $0xE  }
0xa0: {  	s9 =	sshll.u32 s9, $0x7;
	s10 =	sand.u32 $0x3E0000, s10  }
0xa1: {  	s9 =	sand.u32 $0x280, s9;
	s10 =	sadd.s32 s7, s10  }
0xa2: {  	s9 =	sor.u32 s9, s10  }
0xa3: {  	s9 =	sshrl.u32 s9, $0x3  }
.Ltmp9:
0xa4: {  	s9 =	sadd.s32 s1, s9;
	(pc) =	sbr.rel @p0 .LBB2_14-.Ltmp9, $4  }
0xa5: {  	[tilespmem:s17], [sflag:$0x2] =	stream.strided.gather [hbm4b:s9+s13], $0x4000, s14, s13, $0x38;
	[tilespmem:$0x15000] =	vst v63  }
0xa6: {  	_ =	swait.ge [sflag:s25], $0x4000  }
0xa7: {  	[sflag:s25] =	ssyncset.done $0x0  }
0xa8: {  	[sflag:s25] =	ssyncadd.s32 $0xFFFFC000  }
.LBB2_13:
0xa9: {  	_ =	swait.ge [sflag:s26], $0x1000  }
0xaa: {  	[sflag:s26] =	ssyncset.done $0x0  }
0xab: {  	[sflag:s26] =	ssyncadd.s32 $0xFFFFF000  }
.LBB2_14:
0xac: {  	s9 =	simm.s32 $0x40  }
0xad: {  	v0 =	vld [tilespmem:s9+$0x30]  }
0xae: {  	v1 =	vld [tilespmem:s9+$0xFFFFFFD0]  }
0xaf: {  	v2 =	vld [tilespmem:s9+$0xFFFFFFE0]  }
0xb0: {  	v3 =	vld [tilespmem:s9+$0xFFFFFFF0]  }
0xb1: {  	v4 =	vld [tilespmem:s9+$0x0]  }
0xb2: {  	v6 =	vld [tilespmem:s9+$0x10]  }
0xb3: {  	v7 =	vld [tilespmem:s9+$0x20]  }
0xb4: {  	v8 =	vld [tilespmem:s9+$0xFFFFFFC0]  }
0xb5: {  	v9 =	vld.idx.msk [tilespmem:v0+s18+$0x0], $0xffff  }
0xb6: {  	v10 =	vld.idx.msk [tilespmem:v1+s18+$0x0], $0xffff  }
0xb7: {  	v5 =	vld.idx.msk [tilespmem:v2+s18+$0x0], $0xffff  }
0xb8: {  	v3 =	vld.idx.msk [tilespmem:v3+s18+$0x0], $0xffff  }
0xb9: {  	v0 =	vld.idx.msk [tilespmem:v4+s18+$0x0], $0xffff  }
0xba: {  	s9 =	simm.s32 $0x13040;
	v1 =	vld.idx.msk [tilespmem:v6+s18+$0x0], $0xffff  }
0xbb: {  	v2 =	vld.idx.msk [tilespmem:v7+s18+$0x0], $0xffff;
	[tilespmem:s9+$0x30] =	vst v9  }
0xbc: {  	s10 =	simm.s32 $0x0;
	s12 =	simm.s32 $0xC0;
	v4 =	vld.idx.msk [tilespmem:v8+s18+$0x0], $0xffff;
	[tilespmem:s9+$0xFFFFFFD0] =	vst v10  }
.LBB2_15:
0xbd: {  	v6 =	vld [tilespmem:s12+$0x30];
	s10 =	sadd.s32 $0x80, s10;
	[tilespmem:s9+$0xFFFFFFE0] =	vst v5  }
0xbe: {  	v5 =	vld [tilespmem:s12+$0xFFFFFFD0];
	p2 =	slt.u32 s10, $0xF80;
	[tilespmem:s9+$0xFFFFFFF0] =	vst v3  }
0xbf: {  	v3 =	vld [tilespmem:s12+$0xFFFFFFE0];
	[tilespmem:s9+$0x0] =	vst v0  }
0xc0: {  	v0 =	vld [tilespmem:s12+$0xFFFFFFF0];
	[tilespmem:s9+$0x10] =	vst v1  }
0xc1: {  	v1 =	vld [tilespmem:s12+$0x0];
	[tilespmem:s9+$0x20] =	vst v2  }
0xc2: {  	v2 =	vld [tilespmem:s12+$0x10];
	[tilespmem:s9+$0xFFFFFFC0] =	vst v4  }
0xc3: {  	v4 =	vld [tilespmem:s12+$0x20]  }
0xc4: {  	v7 =	vld [tilespmem:s12+$0xFFFFFFC0]  }
0xc5: {  	v6 =	vld.idx.msk [tilespmem:v6+s18+$0x0], $0xffff  }
0xc6: {  	v8 =	vld.idx.msk [tilespmem:v5+s18+$0x0], $0xffff  }
0xc7: {  	v5 =	vld.idx.msk [tilespmem:v3+s18+$0x0], $0xffff  }
.Ltmp10:
0xc8: {  	v3 =	vld.idx.msk [tilespmem:v0+s18+$0x0], $0xffff;
	(pc) =	sbr.rel @p2 .LBB2_15-.Ltmp10, $4  }
0xc9: {  	v0 =	vld.idx.msk [tilespmem:v1+s18+$0x0], $0xffff  }
0xca: {  	s9 =	sadd.s32 $0x80, s9;
	v1 =	vld.idx.msk [tilespmem:v2+s18+$0x0], $0xffff  }
0xcb: {  	v2 =	vld.idx.msk [tilespmem:v4+s18+$0x0], $0xffff;
	[tilespmem:s9+$0x30] =	vst v6  }
0xcc: {  	s12 =	sadd.s32 $0x80, s12;
	v4 =	vld.idx.msk [tilespmem:v7+s18+$0x0], $0xffff;
	[tilespmem:s9+$0xFFFFFFD0] =	vst v8  }
0xcd: {  	[tilespmem:s9+$0xFFFFFFE0] =	vst v5  }
0xce: {  	[tilespmem:s9+$0xFFFFFFF0] =	vst v3  }
.Ltmp11:
0xcf: {  	[tilespmem:s9+$0x0] =	vst v0;
	(pc) =	sbr.rel @p1 .LBB2_18-.Ltmp11, $4  }
0xd0: {  	[tilespmem:s9+$0x10] =	vst v1  }
0xd1: {  	[tilespmem:s9+$0x20] =	vst v2  }
0xd2: {  	s12 =	sadd.s32 $0x20, s8;
	[tilespmem:s9+$0xFFFFFFC0] =	vst v4  }
0xd3: {  	[hbm4b:s12+s13] =	stream.strided.scatter [tilespmem:s28], [sflag:$0x7], $0x1000, s14, s13, $0x38;
	[tilespmem:$0x15000] =	vst v63  }
.Ltmp12:
0xd4: {  	(pc) =	sbr.rel .LBB2_19-.Ltmp12, $4  }
0xd5: {  	_ = 	snop  }
0xd6: {  	_ =	swait.ge [sflag:s29], $0x4000  }
0xd7: {  	[sflag:s29] =	ssyncset.done $0x0  }
0xd8: {  	[sflag:s29] =	ssyncadd.s32 $0xFFFFC000  }
.LBB2_18:
0xd9: {  	s9 =	sadd.s32 $0x6, s6  }
0xda: {  	s10 =	sshll.u32 s9, $0xE  }
0xdb: {  	s9 =	sshll.u32 s9, $0x7;
	s10 =	sand.u32 $0x3E0000, s10  }
0xdc: {  	s9 =	sand.u32 $0x300, s9;
	s10 =	sadd.s32 s7, s10  }
0xdd: {  	s9 =	sor.u32 s9, s10  }
0xde: {  	s9 =	sshrl.u32 s9, $0x3  }
.Ltmp13:
0xdf: {  	s9 =	sadd.s32 s1, s9;
	(pc) =	sbr.rel @p0 .LBB2_20-.Ltmp13, $4  }
0xe0: {  	[tilespmem:s18], [sflag:$0x3] =	stream.strided.gather [hbm4b:s9+s13], $0x4000, s14, s13, $0x38;
	[tilespmem:$0x15000] =	vst v63  }
0xe1: {  	_ =	swait.ge [sflag:s29], $0x4000  }
0xe2: {  	[sflag:s29] =	ssyncset.done $0x0  }
0xe3: {  	[sflag:s29] =	ssyncadd.s32 $0xFFFFC000  }
.LBB2_19:
0xe4: {  	_ =	swait.ge [sflag:s30], $0x1000  }
0xe5: {  	[sflag:s30] =	ssyncset.done $0x0  }
0xe6: {  	[sflag:s30] =	ssyncadd.s32 $0xFFFFF000  }
.LBB2_20:
0xe7: {  	s9 =	simm.s32 $0x40  }
0xe8: {  	v0 =	vld [tilespmem:s9+$0x30]  }
0xe9: {  	v1 =	vld [tilespmem:s9+$0xFFFFFFD0]  }
0xea: {  	v2 =	vld [tilespmem:s9+$0xFFFFFFE0]  }
0xeb: {  	v3 =	vld [tilespmem:s9+$0xFFFFFFF0]  }
0xec: {  	v4 =	vld [tilespmem:s9+$0x0]  }
0xed: {  	v6 =	vld [tilespmem:s9+$0x10]  }
0xee: {  	v7 =	vld [tilespmem:s9+$0x20]  }
0xef: {  	v8 =	vld [tilespmem:s9+$0xFFFFFFC0]  }
0xf0: {  	v9 =	vld.idx.msk [tilespmem:v0+s19+$0x0], $0xffff  }
0xf1: {  	v10 =	vld.idx.msk [tilespmem:v1+s19+$0x0], $0xffff  }
0xf2: {  	v5 =	vld.idx.msk [tilespmem:v2+s19+$0x0], $0xffff  }
0xf3: {  	v3 =	vld.idx.msk [tilespmem:v3+s19+$0x0], $0xffff  }
0xf4: {  	v0 =	vld.idx.msk [tilespmem:v4+s19+$0x0], $0xffff  }
0xf5: {  	s9 =	simm.s32 $0x14040;
	v1 =	vld.idx.msk [tilespmem:v6+s19+$0x0], $0xffff  }
0xf6: {  	v2 =	vld.idx.msk [tilespmem:v7+s19+$0x0], $0xffff;
	[tilespmem:s9+$0x30] =	vst v9  }
0xf7: {  	s10 =	simm.s32 $0x0;
	s12 =	simm.s32 $0xC0;
	v4 =	vld.idx.msk [tilespmem:v8+s19+$0x0], $0xffff;
	[tilespmem:s9+$0xFFFFFFD0] =	vst v10  }
.LBB2_21:
0xf8: {  	v6 =	vld [tilespmem:s12+$0x30];
	s10 =	sadd.s32 $0x80, s10;
	[tilespmem:s9+$0xFFFFFFE0] =	vst v5  }
0xf9: {  	v5 =	vld [tilespmem:s12+$0xFFFFFFD0];
	p0 =	slt.u32 s10, $0xF80;
	[tilespmem:s9+$0xFFFFFFF0] =	vst v3  }
0xfa: {  	v3 =	vld [tilespmem:s12+$0xFFFFFFE0];
	[tilespmem:s9+$0x0] =	vst v0  }
0xfb: {  	v0 =	vld [tilespmem:s12+$0xFFFFFFF0];
	[tilespmem:s9+$0x10] =	vst v1  }
0xfc: {  	v1 =	vld [tilespmem:s12+$0x0];
	[tilespmem:s9+$0x20] =	vst v2  }
0xfd: {  	v2 =	vld [tilespmem:s12+$0x10];
	[tilespmem:s9+$0xFFFFFFC0] =	vst v4  }
0xfe: {  	v4 =	vld [tilespmem:s12+$0x20]  }
0xff: {  	v7 =	vld [tilespmem:s12+$0xFFFFFFC0]  }
0x100: {  	v6 =	vld.idx.msk [tilespmem:v6+s19+$0x0], $0xffff  }
0x101: {  	v8 =	vld.idx.msk [tilespmem:v5+s19+$0x0], $0xffff  }
0x102: {  	v5 =	vld.idx.msk [tilespmem:v3+s19+$0x0], $0xffff  }
.Ltmp14:
0x103: {  	v3 =	vld.idx.msk [tilespmem:v0+s19+$0x0], $0xffff;
	(pc) =	sbr.rel @p0 .LBB2_21-.Ltmp14, $4  }
0x104: {  	v0 =	vld.idx.msk [tilespmem:v1+s19+$0x0], $0xffff  }
0x105: {  	s9 =	sadd.s32 $0x80, s9;
	v1 =	vld.idx.msk [tilespmem:v2+s19+$0x0], $0xffff  }
0x106: {  	v2 =	vld.idx.msk [tilespmem:v4+s19+$0x0], $0xffff;
	[tilespmem:s9+$0x30] =	vst v6  }
0x107: {  	s12 =	sadd.s32 $0x80, s12;
	v4 =	vld.idx.msk [tilespmem:v7+s19+$0x0], $0xffff;
	[tilespmem:s9+$0xFFFFFFD0] =	vst v8  }
0x108: {  	[tilespmem:s9+$0xFFFFFFE0] =	vst v5  }
0x109: {  	[tilespmem:s9+$0xFFFFFFF0] =	vst v3;
	p0 =	seq.s32 s4, $0x1F  }
.Ltmp15:
0x10a: {  	[tilespmem:s9+$0x0] =	vst v0;
	(pc) =	sbr.rel @p0 .LBB2_24-.Ltmp15, $4  }
0x10b: {  	[tilespmem:s9+$0x10] =	vst v1  }
0x10c: {  	[tilespmem:s9+$0x20] =	vst v2  }
0x10d: {  	s8 =	sadd.s32 $0x30, s8;
	[tilespmem:s9+$0xFFFFFFC0] =	vst v4  }
0x10e: {  	[hbm4b:s8+s13] =	stream.strided.scatter [tilespmem:s31], [sflag:$0x8], $0x1000, s14, s13, $0x38;
	[tilespmem:$0x15000] =	vst v63  }
0x10f: {  	s6 =	sadd.s32 $0x7, s6  }
0x110: {  	s8 =	sshll.u32 s6, $0xE  }
0x111: {  	s6 =	sshll.u32 s6, $0x7;
	s8 =	sand.u32 $0x3E0000, s8  }
.Ltmp16:
0x112: {  	s6 =	sand.u32 $0x380, s6;
	s8 =	sadd.s32 s7, s8;
	(pc) =	sbr.rel .LBB2_2-.Ltmp16, $4  }
0x113: {  	s6 =	sor.u32 s6, s8  }
0x114: {  	s6 =	sshrl.u32 s6, $0x3  }
0x115: {  	s4 =	sadd.s32 $0x1, s4;
	s6 =	sadd.s32 s1, s6  }
0x116: {  	[tilespmem:s19], [sflag:$0x4] =	stream.strided.gather [hbm4b:s6+s13], $0x4000, s14, s13, $0x38;
	[tilespmem:$0x15000] =	vst v63  }
.LBB2_25:
0x117: {  	_ =	sfence.sel $0x180000  }
0x118: {  	[bflag:$0x0] =	sbarrier.arrive $0xFFFF  }
0x119: {  	_ =	strace $0x90000047  }
0x11a: {  	s0 =	stileid.u32;
	[bflag:$0x2] =	sbarrier.arrive $0xFFFF  }
0x11b: {  	p0 =	sne.s32 s0, $0x0;
	s0 =	rddreg [dreg:$0x3]  }
0x11c: {  	s0 =	sadd.s32 @!p0 $0x100000, s0  }
0x11d: {  	[sflag:s0] =	ssyncadd.tile.s32 @!p0 $0x1;
	_ =	shalt  }
.Lfunc_end2:
_tile_overlayer_lowered:
.L_overlay_start_2:
0x11e: {  	(tag) =	ssettag $0x2  }
0x11f: {  	s0 =	rddreg [dreg:$0x0];
	s2 =	stileid.u32  }
0x120: {  	s1 =	rddreg [dreg:$0x1];
	p0 =	sne.s32 s2, $0x0  }
0x121: {  	s3 =	rddreg [dreg:$0x2];
	[bflag:$0x3] =	sbarrier.arrive $0xFFFF;
	s2 =	simm.s32 @!p0 $0x1C09  }
0x122: {  	[timem:s3], [sflag:s2] =	dma.local @!p0 [hbm:s0], s1  }
0x123: {  	s0 =	simm.s32 @!p0 $0x9  }
0x124: {  	_ =	swait.ge @!p0 [sflag:s0], s1  }
0x125: {  	s1 =	ssub.s32 @!p0 $0x0, s1;
	[sflag:s0] =	ssyncset.done @!p0 $0x0  }
0x126: {  	[sflag:s0] =	ssyncadd.s32 @!p0 s1  }
0x127: {  	[bflag:$0x3] =	sbarrier.arrive $0xFFFF  }
0x128: {  	_ =	shalt  }

</sc_bundles>
